<compile_context>
chip_gen: v7x
topology: tpu7x:2x2x1
jax: 0.10.2.dev20260603
libtpu: 0.0.44.dev20260713+nightly
codegen_flags: <defaults>
</compile_context>

<pallas_src>
import functools

import jax
import jax.numpy as jnp
from jax.experimental import pallas as pl
from jax.experimental.pallas import tpu as pltpu
from jax.experimental.pallas import tpu_sc as plsc

_B, _CIN, _T = 16, 128, 2048
_H, _D, _K = 384, 256, 1024
_S = 512
_BF = jnp.bfloat16

_NC, _NS, _L = 2, 16, 16
_NW = _NC * _NS
_DPW = _D // _NW


def _sd(m):
    z = jnp.zeros((1, m.shape[1]), m.dtype)
    return jnp.concatenate([z, m[:-1]], axis=0)


def _su(m):
    z = jnp.zeros((1, m.shape[1]), m.dtype)
    return jnp.concatenate([m[1:], z], axis=0)


def _mm(a, b):
    return jax.lax.dot_general(
        a, b, (((1,), (0,)), ((), ())),
        preferred_element_type=jnp.float32,
        precision=jax.lax.Precision.DEFAULT)


def _mm_tt(a, b):
    return jax.lax.dot_general(
        a, b, (((1,), (1,)), ((), ())),
        preferred_element_type=jnp.float32,
        precision=jax.lax.Precision.DEFAULT)


def _tc_body(x_ref, w12_ref, b1_ref, v12_ref,
             b2_ref, wz_ref, b3_ref, cbf_ref, cbh_ref,
             codes_ref, loss_ref):
    b = pl.program_id(0)
    xb = x_ref[0].astype(_BF)
    xt = xb.T
    xg = xt.reshape(1024, 256)

    xcat = jnp.concatenate(
        [_sd(xg[:, _CIN:]), xg, _su(xg[:, :_CIN])], axis=1)
    h1 = _mm(xcat, w12_ref[...]) + b1_ref[...]
    h1 = jnp.maximum(h1, 0.0).astype(_BF)

    hg = h1.reshape(512, 768)
    hcat = jnp.concatenate(
        [_sd(hg[:, _H:]), hg, _su(hg[:, :_H])], axis=1)
    h2 = _mm(hcat, v12_ref[...]) + b2_ref[...]
    h2 = jnp.maximum(h2, 0.0).astype(_BF)

    z = _mm(h2, wz_ref[...]) + b3_ref[...]

    cbf = cbf_ref[...]
    g = _mm_tt(z.astype(_BF), cbh_ref[...])
    znorm = jnp.sum(z * z, axis=1, keepdims=True)
    cnorm = jnp.sum(cbf * cbf, axis=1, keepdims=True)
    d = (znorm - 2.0 * g) + cnorm.reshape(1, _K)
    m = jnp.min(d, axis=1, keepdims=True)
    iota = jax.lax.broadcasted_iota(jnp.int32, (_S, _K), 1)
    codes_ref[0] = jnp.min(jnp.where(d == m, iota, _K), axis=1,
                           keepdims=True)

    part = jnp.sum(m)

    @pl.when(b == 0)
    def _():
        loss_ref[...] = jnp.zeros_like(loss_ref)

    loss_ref[...] += part


def _sc_body(cbt_hbm, codes_hbm, out_hbm, codes_v, cb_v, out_v):
    wid = jax.lax.axis_index("s") * _NC + jax.lax.axis_index("c")
    d0 = wid * _DPW
    pltpu.sync_copy(codes_hbm, codes_v)
    pltpu.sync_copy(cbt_hbm.at[pl.ds(d0 * _K, _DPW * _K)], cb_v)

    def body_b(b, carry):
        def body_d(d, carry):
            base = jnp.full((_L,), d * _K, jnp.int32)
            for j in range(_S // _L):
                idx = codes_v[b, pl.ds(j * _L, _L)] + base
                out_v[b, d, pl.ds(j * _L, _L)] = plsc.load_gather(cb_v, [idx])
            return carry
        return jax.lax.fori_loop(0, _DPW, body_d, carry)

    jax.lax.fori_loop(0, _B, body_b, 0)
    pltpu.sync_copy(out_v, out_hbm.at[:, pl.ds(d0, _DPW), :])


def _sc_lookup(cbt, codes):
    return functools.partial(
        pl.kernel,
        mesh=plsc.VectorSubcoreMesh(core_axis_name="c", subcore_axis_name="s"),
        compiler_params=pltpu.CompilerParams(needs_layout_passes=False),
        out_type=jax.ShapeDtypeStruct((_B, _D, _S), jnp.float32),
        scratch_types=[
            pltpu.VMEM((_B, _S), jnp.int32),
            pltpu.VMEM((_DPW * _K,), jnp.float32),
            pltpu.VMEM((_B, _DPW, _S), jnp.float32),
        ],
    )(_sc_body)(cbt, codes)


def kernel(input, W1, b1, W2, b2, W3, b3, codebook):
    w1 = W1.transpose(2, 1, 0).astype(_BF)
    w12 = w1.reshape(4 * _CIN, _H)
    v = W2.transpose(2, 1, 0).astype(_BF)
    v12 = v.reshape(4 * _H, _H)
    wz = W3[:, :, 0].T.astype(_BF)
    cb_hi = codebook.astype(_BF)
    cbt = codebook.T.reshape(-1)

    codes, loss = pl.pallas_call(
        _tc_body,
        grid=(_B,),
        in_specs=[
            pl.BlockSpec((1, _CIN, _T), lambda b: (b, 0, 0)),
            pl.BlockSpec((4 * _CIN, _H), lambda b: (0, 0)),
            pl.BlockSpec((1, _H), lambda b: (0, 0)),
            pl.BlockSpec((4 * _H, _H), lambda b: (0, 0)),
            pl.BlockSpec((1, _H), lambda b: (0, 0)),
            pl.BlockSpec((_H, _D), lambda b: (0, 0)),
            pl.BlockSpec((1, _D), lambda b: (0, 0)),
            pl.BlockSpec((_K, _D), lambda b: (0, 0)),
            pl.BlockSpec((_K, _D), lambda b: (0, 0)),
        ],
        out_specs=[
            pl.BlockSpec((1, _S, 1), lambda b: (b, 0, 0)),
            pl.BlockSpec((1, 1), lambda b: (0, 0)),
        ],
        out_shape=[
            jax.ShapeDtypeStruct((_B, _S, 1), jnp.int32),
            jax.ShapeDtypeStruct((1, 1), jnp.float32),
        ],
    )(input, w12, b1[None, :], v12, b2[None, :],
      wz, b3[None, :], codebook, cb_hi)

    out = _sc_lookup(cbt, codes.reshape(_B, _S))

    loss_s = loss[0, 0] / jnp.float32(_B * _S * _D)
    return out, loss_s, loss_s

# --- scband reference (transcript-rebuilt; emitter-appended) ---
"""Pipeline reference for scband-content-enc-89842125898029 (READ-ONLY COPY).

The authoritative reference and input builder live on the scoring server;
editing this copy changes nothing except your own understanding.
"""

import jax, jax.numpy as jnp
import numpy as np


def _conv1d(x, w, stride):
    return jax.lax.conv_general_dilated(
        x, w, window_strides=(stride,), padding='SAME',
        dimension_numbers=('NCH', 'OIH', 'NCH'))


def setup_inputs(seed: int = 0) -> dict:
    key = jax.random.key(seed)
    ks = jax.random.split(key, 9)
    B, Cin, T = 16, 128, 2048
    H, D, K = 384, 256, 1024
    inp = jax.random.normal(ks[0], (B, Cin, T), dtype=jnp.float32)
    W1 = jax.random.normal(ks[1], (H, Cin, 4), dtype=jnp.float32) * 0.02
    b1 = jnp.zeros((H,), dtype=jnp.float32)
    W2 = jax.random.normal(ks[2], (H, H, 4), dtype=jnp.float32) * 0.02
    b2 = jnp.zeros((H,), dtype=jnp.float32)
    W3 = jax.random.normal(ks[3], (D, H, 1), dtype=jnp.float32) * 0.02
    b3 = jnp.zeros((D,), dtype=jnp.float32)
    codebook = jax.random.normal(ks[4], (K, D), dtype=jnp.float32) * 0.05
    return {'input': inp, 'W1': W1, 'b1': b1, 'W2': W2, 'b2': b2,
            'W3': W3, 'b3': b3, 'codebook': codebook}


def reference(input, W1, b1, W2, b2, W3, b3, codebook):
    # content_encoder: strided Conv1d stack
    h = _conv1d(input, W1, 2) + b1[None, :, None]
    h = jax.nn.relu(h)
    h = _conv1d(h, W2, 2) + b2[None, :, None]
    h = jax.nn.relu(h)
    z = _conv1d(h, W3, 1) + b3[None, :, None]  # [B, D, T']
    # VQEmbedding with axis=1 (channel axis holds code_dim)
    z_t = jnp.transpose(z, (0, 2, 1))  # [B, T', D]
    d = (jnp.sum(z_t ** 2, axis=-1, keepdims=True)
         - 2.0 * jnp.einsum('btd,kd->btk', z_t, codebook)
         + jnp.sum(codebook ** 2, axis=-1)[None, None, :])
    codes = jnp.argmin(d, axis=-1)  # [B, T']
    quant = jnp.take(codebook, codes, axis=0)  # [B, T', D]
    commit_loss = jnp.mean((z_t - jax.lax.stop_gradient(quant)) ** 2)
    codebook_loss = jnp.mean((jax.lax.stop_gradient(z_t) - quant) ** 2)
    # straight-through estimator
    quant_st = z_t + jax.lax.stop_gradient(quant - z_t)
    out = jnp.transpose(quant_st, (0, 2, 1))  # [B, D, T']
    return (out, commit_loss, codebook_loss)

if __name__ == "__main__":
    import jax
    _d = setup_inputs()
    print(jax.jit(kernel)(*tuple(_d.values())))

</pallas_src>

<mosaic_0001>
#map = affine_map<(d0, d1) -> (0)>
#map1 = affine_map<(d0, d1) -> (0, 0)>
#map2 = affine_map<(d0, d1) -> (0, 0, 0)>
module attributes {stable_mosaic.version = 14 : i64} {
  func.func @_sc_body(%arg0: i32, %arg1: i32, %arg2: memref<262144xf32, #tpu.memory_space<hbm>>, %arg3: memref<16x512xi32, #tpu.memory_space<hbm>>, %arg4: memref<16x256x512xf32, #tpu.memory_space<hbm>>, %arg5: memref<16x512xi32, #tpu.memory_space<vmem>>, %arg6: memref<8192xf32, #tpu.memory_space<vmem>>, %arg7: memref<16x8x512xf32, #tpu.memory_space<vmem>>) attributes {dimension_semantics = [#tpu.dimension_semantics<core_parallel>, #tpu.dimension_semantics<subcore_parallel>], iteration_bounds = array<i64: 2, 16>, scalar_prefetch = 0 : i64, scratch_operands = 3 : i64, tpu.core_type = #tpu.core_type<sc_vector_subcore>, window_params = [{transform_indices = #map}, {transform_indices = #map1}, {transform_indices = #map2}]} {
    %mul3A = arith.constant 2 : i32
    %mul3A_0 = arith.muli %arg1, %mul3A : i32
    %add3A = arith.addi %mul3A_0, %arg0 : i32
    %mul3A_1 = arith.constant 8 : i32
    %mul3A_2 = arith.muli %add3A, %mul3A_1 : i32
    "tpu.region"() ({
      %run_scoped3A = tpu.sem_alloc : memref<!tpu.dma_semaphore, #tpu.memory_space<semaphore_mem>>
      tpu.enqueue_dma source(%arg3 : memref<16x512xi32, #tpu.memory_space<hbm>>) target(%arg5 : memref<16x512xi32, #tpu.memory_space<vmem>>) target_semaphore(%run_scoped3A : memref<!tpu.dma_semaphore, #tpu.memory_space<semaphore_mem>>)
      tpu.wait_dma2 semaphore(%run_scoped3A : memref<!tpu.dma_semaphore, #tpu.memory_space<semaphore_mem>>) src(%arg3 : memref<16x512xi32, #tpu.memory_space<hbm>>) dst(%arg5 : memref<16x512xi32, #tpu.memory_space<vmem>>)
      tpu.yield
    }) : () -> ()
    %mul3A_3 = arith.constant 1024 : i32
    %mul3A_4 = arith.muli %mul3A_2, %mul3A_3 : i32
    "tpu.region"() ({
      %run_scoped3A = tpu.sem_alloc : memref<!tpu.dma_semaphore, #tpu.memory_space<semaphore_mem>>
      %dma_start3A = tpu.memref_slice %arg2[%mul3A_4] : memref<262144xf32, #tpu.memory_space<hbm>> -> memref<8192xf32, #tpu.memory_space<hbm>>
      %dma_start3A_10 = tpu.memref_slice %arg2[%mul3A_4] : memref<262144xf32, #tpu.memory_space<hbm>> -> memref<8192xf32, #tpu.memory_space<hbm>>
      tpu.enqueue_dma source(%dma_start3A_10 : memref<8192xf32, #tpu.memory_space<hbm>>) target(%arg6 : memref<8192xf32, #tpu.memory_space<vmem>>) target_semaphore(%run_scoped3A : memref<!tpu.dma_semaphore, #tpu.memory_space<semaphore_mem>>)
      %dma_wait3A = tpu.memref_slice %arg2[%mul3A_4] : memref<262144xf32, #tpu.memory_space<hbm>> -> memref<8192xf32, #tpu.memory_space<hbm>>
      %dma_wait3A_11 = tpu.memref_slice %arg2[%mul3A_4] : memref<262144xf32, #tpu.memory_space<hbm>> -> memref<8192xf32, #tpu.memory_space<hbm>>
      tpu.wait_dma2 semaphore(%run_scoped3A : memref<!tpu.dma_semaphore, #tpu.memory_space<semaphore_mem>>) src(%dma_wait3A_11 : memref<8192xf32, #tpu.memory_space<hbm>>) dst(%arg6 : memref<8192xf32, #tpu.memory_space<vmem>>)
      tpu.yield
    }) : () -> ()
    %scan3A = arith.constant 0 : i32
    %scan3A_5 = arith.constant 0 : i32
    %scan3A_6 = arith.constant 16 : i32
    %scan3A_7 = arith.addi %scan3A_5, %scan3A_6 : i32
    %scan3A_8 = arith.constant 1 : i32
    scf.for %scan3A_10 = %scan3A_5 to %scan3A_7 step %scan3A_8  : i32 {
      %scan3A_11 = arith.constant 0 : i32
      %scan3A_12 = arith.constant 8 : i32
      %scan3A_13 = arith.addi %scan3A_11, %scan3A_12 : i32
      %scan3A_14 = arith.constant 1 : i32
      scf.for %scan3A_16 = %scan3A_11 to %scan3A_13 step %scan3A_14  : i32 {
        %mul3A_17 = arith.constant 1024 : i32
        %mul3A_18 = arith.muli %scan3A_16, %mul3A_17 : i32
        %broadcast_in_dim3A = vector.broadcast %mul3A_18 : i32 to vector<16xi32>
        %get3A = arith.index_cast %scan3A_10 : i32 to index
        %get3A_19 = arith.constant 0 : index
        %get3A_20 = tpu.vector_load %arg5[%get3A, %get3A_19] {strides = array<i32>} : memref<16x512xi32, #tpu.memory_space<vmem>>, vector<16xi32>,
        %add3A_21 = arith.addi %get3A_20, %broadcast_in_dim3A : vector<16xi32>
        %gather3A = tpu.vector_load_idx %arg6[%add3A_21] : memref<8192xf32, #tpu.memory_space<vmem>>[vector<16xi32>], vector<16xf32>,
        %swap3A = arith.index_cast %scan3A_10 : i32 to index
        %swap3A_22 = arith.index_cast %scan3A_16 : i32 to index
        %swap3A_23 = arith.constant 0 : index
        %swap3A_24 = tpu.vector_load %arg7[%swap3A, %swap3A_22, %swap3A_23] {strides = array<i32>} : memref<16x8x512xf32, #tpu.memory_space<vmem>>, vector<16xf32>,
        tpu.vector_store %arg7[%swap3A, %swap3A_22, %swap3A_23], %gather3A {strides = array<i32>} : memref<16x8x512xf32, #tpu.memory_space<vmem>>, vector<16xf32>,
        %get3A_25 = arith.index_cast %scan3A_10 : i32 to index
        %get3A_26 = arith.constant 16 : index
        %get3A_27 = tpu.vector_load %arg5[%get3A_25, %get3A_26] {strides = array<i32>} : memref<16x512xi32, #tpu.memory_space<vmem>>, vector<16xi32>,
        %add3A_28 = arith.addi %get3A_27, %broadcast_in_dim3A : vector<16xi32>
        %gather3A_29 = tpu.vector_load_idx %arg6[%add3A_28] : memref<8192xf32, #tpu.memory_space<vmem>>[vector<16xi32>], vector<16xf32>,
        %swap3A_30 = arith.index_cast %scan3A_10 : i32 to index
        %swap3A_31 = arith.index_cast %scan3A_16 : i32 to index
        %swap3A_32 = arith.constant 16 : index
        %swap3A_33 = tpu.vector_load %arg7[%swap3A_30, %swap3A_31, %swap3A_32] {strides = array<i32>} : memref<16x8x512xf32, #tpu.memory_space<vmem>>, vector<16xf32>,
        tpu.vector_store %arg7[%swap3A_30, %swap3A_31, %swap3A_32], %gather3A_29 {strides = array<i32>} : memref<16x8x512xf32, #tpu.memory_space<vmem>>, vector<16xf32>,
        %get3A_34 = arith.index_cast %scan3A_10 : i32 to index
        %get3A_35 = arith.constant 32 : index
        %get3A_36 = tpu.vector_load %arg5[%get3A_34, %get3A_35] {strides = array<i32>} : memref<16x512xi32, #tpu.memory_space<vmem>>, vector<16xi32>,
        %add3A_37 = arith.addi %get3A_36, %broadcast_in_dim3A : vector<16xi32>
        %gather3A_38 = tpu.vector_load_idx %arg6[%add3A_37] : memref<8192xf32, #tpu.memory_space<vmem>>[vector<16xi32>], vector<16xf32>,
        %swap3A_39 = arith.index_cast %scan3A_10 : i32 to index
        %swap3A_40 = arith.index_cast %scan3A_16 : i32 to index
        %swap3A_41 = arith.constant 32 : index
        %swap3A_42 = tpu.vector_load %arg7[%swap3A_39, %swap3A_40, %swap3A_41] {strides = array<i32>} : memref<16x8x512xf32, #tpu.memory_space<vmem>>, vector<16xf32>,
        tpu.vector_store %arg7[%swap3A_39, %swap3A_40, %swap3A_41], %gather3A_38 {strides = array<i32>} : memref<16x8x512xf32, #tpu.memory_space<vmem>>, vector<16xf32>,
        %get3A_43 = arith.index_cast %scan3A_10 : i32 to index
        %get3A_44 = arith.constant 48 : index
        %get3A_45 = tpu.vector_load %arg5[%get3A_43, %get3A_44] {strides = array<i32>} : memref<16x512xi32, #tpu.memory_space<vmem>>, vector<16xi32>,
        %add3A_46 = arith.addi %get3A_45, %broadcast_in_dim3A : vector<16xi32>
        %gather3A_47 = tpu.vector_load_idx %arg6[%add3A_46] : memref<8192xf32, #tpu.memory_space<vmem>>[vector<16xi32>], vector<16xf32>,
        %swap3A_48 = arith.index_cast %scan3A_10 : i32 to index
        %swap3A_49 = arith.index_cast %scan3A_16 : i32 to index
        %swap3A_50 = arith.constant 48 : index
        %swap3A_51 = tpu.vector_load %arg7[%swap3A_48, %swap3A_49, %swap3A_50] {strides = array<i32>} : memref<16x8x512xf32, #tpu.memory_space<vmem>>, vector<16xf32>,
        tpu.vector_store %arg7[%swap3A_48, %swap3A_49, %swap3A_50], %gather3A_47 {strides = array<i32>} : memref<16x8x512xf32, #tpu.memory_space<vmem>>, vector<16xf32>,
        %get3A_52 = arith.index_cast %scan3A_10 : i32 to index
        %get3A_53 = arith.constant 64 : index
        %get3A_54 = tpu.vector_load %arg5[%get3A_52, %get3A_53] {strides = array<i32>} : memref<16x512xi32, #tpu.memory_space<vmem>>, vector<16xi32>,
        %add3A_55 = arith.addi %get3A_54, %broadcast_in_dim3A : vector<16xi32>
        %gather3A_56 = tpu.vector_load_idx %arg6[%add3A_55] : memref<8192xf32, #tpu.memory_space<vmem>>[vector<16xi32>], vector<16xf32>,
        %swap3A_57 = arith.index_cast %scan3A_10 : i32 to index
        %swap3A_58 = arith.index_cast %scan3A_16 : i32 to index
        %swap3A_59 = arith.constant 64 : index
        %swap3A_60 = tpu.vector_load %arg7[%swap3A_57, %swap3A_58, %swap3A_59] {strides = array<i32>} : memref<16x8x512xf32, #tpu.memory_space<vmem>>, vector<16xf32>,
        tpu.vector_store %arg7[%swap3A_57, %swap3A_58, %swap3A_59], %gather3A_56 {strides = array<i32>} : memref<16x8x512xf32, #tpu.memory_space<vmem>>, vector<16xf32>,
        %get3A_61 = arith.index_cast %scan3A_10 : i32 to index
        %get3A_62 = arith.constant 80 : index
        %get3A_63 = tpu.vector_load %arg5[%get3A_61, %get3A_62] {strides = array<i32>} : memref<16x512xi32, #tpu.memory_space<vmem>>, vector<16xi32>,
        %add3A_64 = arith.addi %get3A_63, %broadcast_in_dim3A : vector<16xi32>
        %gather3A_65 = tpu.vector_load_idx %arg6[%add3A_64] : memref<8192xf32, #tpu.memory_space<vmem>>[vector<16xi32>], vector<16xf32>,
        %swap3A_66 = arith.index_cast %scan3A_10 : i32 to index
        %swap3A_67 = arith.index_cast %scan3A_16 : i32 to index
        %swap3A_68 = arith.constant 80 : index
        %swap3A_69 = tpu.vector_load %arg7[%swap3A_66, %swap3A_67, %swap3A_68] {strides = array<i32>} : memref<16x8x512xf32, #tpu.memory_space<vmem>>, vector<16xf32>,
        tpu.vector_store %arg7[%swap3A_66, %swap3A_67, %swap3A_68], %gather3A_65 {strides = array<i32>} : memref<16x8x512xf32, #tpu.memory_space<vmem>>, vector<16xf32>,
        %get3A_70 = arith.index_cast %scan3A_10 : i32 to index
        %get3A_71 = arith.constant 96 : index
        %get3A_72 = tpu.vector_load %arg5[%get3A_70, %get3A_71] {strides = array<i32>} : memref<16x512xi32, #tpu.memory_space<vmem>>, vector<16xi32>,
        %add3A_73 = arith.addi %get3A_72, %broadcast_in_dim3A : vector<16xi32>
        %gather3A_74 = tpu.vector_load_idx %arg6[%add3A_73] : memref<8192xf32, #tpu.memory_space<vmem>>[vector<16xi32>], vector<16xf32>,
        %swap3A_75 = arith.index_cast %scan3A_10 : i32 to index
        %swap3A_76 = arith.index_cast %scan3A_16 : i32 to index
        %swap3A_77 = arith.constant 96 : index
        %swap3A_78 = tpu.vector_load %arg7[%swap3A_75, %swap3A_76, %swap3A_77] {strides = array<i32>} : memref<16x8x512xf32, #tpu.memory_space<vmem>>, vector<16xf32>,
        tpu.vector_store %arg7[%swap3A_75, %swap3A_76, %swap3A_77], %gather3A_74 {strides = array<i32>} : memref<16x8x512xf32, #tpu.memory_space<vmem>>, vector<16xf32>,
        %get3A_79 = arith.index_cast %scan3A_10 : i32 to index
        %get3A_80 = arith.constant 112 : index
        %get3A_81 = tpu.vector_load %arg5[%get3A_79, %get3A_80] {strides = array<i32>} : memref<16x512xi32, #tpu.memory_space<vmem>>, vector<16xi32>,
        %add3A_82 = arith.addi %get3A_81, %broadcast_in_dim3A : vector<16xi32>
        %gather3A_83 = tpu.vector_load_idx %arg6[%add3A_82] : memref<8192xf32, #tpu.memory_space<vmem>>[vector<16xi32>], vector<16xf32>,
        %swap3A_84 = arith.index_cast %scan3A_10 : i32 to index
        %swap3A_85 = arith.index_cast %scan3A_16 : i32 to index
        %swap3A_86 = arith.constant 112 : index
        %swap3A_87 = tpu.vector_load %arg7[%swap3A_84, %swap3A_85, %swap3A_86] {strides = array<i32>} : memref<16x8x512xf32, #tpu.memory_space<vmem>>, vector<16xf32>,
        tpu.vector_store %arg7[%swap3A_84, %swap3A_85, %swap3A_86], %gather3A_83 {strides = array<i32>} : memref<16x8x512xf32, #tpu.memory_space<vmem>>, vector<16xf32>,
        %get3A_88 = arith.index_cast %scan3A_10 : i32 to index
        %get3A_89 = arith.constant 128 : index
        %get3A_90 = tpu.vector_load %arg5[%get3A_88, %get3A_89] {strides = array<i32>} : memref<16x512xi32, #tpu.memory_space<vmem>>, vector<16xi32>,
        %add3A_91 = arith.addi %get3A_90, %broadcast_in_dim3A : vector<16xi32>
        %gather3A_92 = tpu.vector_load_idx %arg6[%add3A_91] : memref<8192xf32, #tpu.memory_space<vmem>>[vector<16xi32>], vector<16xf32>,
        %swap3A_93 = arith.index_cast %scan3A_10 : i32 to index
        %swap3A_94 = arith.index_cast %scan3A_16 : i32 to index
        %swap3A_95 = arith.constant 128 : index
        %swap3A_96 = tpu.vector_load %arg7[%swap3A_93, %swap3A_94, %swap3A_95] {strides = array<i32>} : memref<16x8x512xf32, #tpu.memory_space<vmem>>, vector<16xf32>,
        tpu.vector_store %arg7[%swap3A_93, %swap3A_94, %swap3A_95], %gather3A_92 {strides = array<i32>} : memref<16x8x512xf32, #tpu.memory_space<vmem>>, vector<16xf32>,
        %get3A_97 = arith.index_cast %scan3A_10 : i32 to index
        %get3A_98 = arith.constant 144 : index
        %get3A_99 = tpu.vector_load %arg5[%get3A_97, %get3A_98] {strides = array<i32>} : memref<16x512xi32, #tpu.memory_space<vmem>>, vector<16xi32>,
        %add3A_100 = arith.addi %get3A_99, %broadcast_in_dim3A : vector<16xi32>
        %gather3A_101 = tpu.vector_load_idx %arg6[%add3A_100] : memref<8192xf32, #tpu.memory_space<vmem>>[vector<16xi32>], vector<16xf32>,
        %swap3A_102 = arith.index_cast %scan3A_10 : i32 to index
        %swap3A_103 = arith.index_cast %scan3A_16 : i32 to index
        %swap3A_104 = arith.constant 144 : index
        %swap3A_105 = tpu.vector_load %arg7[%swap3A_102, %swap3A_103, %swap3A_104] {strides = array<i32>} : memref<16x8x512xf32, #tpu.memory_space<vmem>>, vector<16xf32>,
        tpu.vector_store %arg7[%swap3A_102, %swap3A_103, %swap3A_104], %gather3A_101 {strides = array<i32>} : memref<16x8x512xf32, #tpu.memory_space<vmem>>, vector<16xf32>,
        %get3A_106 = arith.index_cast %scan3A_10 : i32 to index
        %get3A_107 = arith.constant 160 : index
        %get3A_108 = tpu.vector_load %arg5[%get3A_106, %get3A_107] {strides = array<i32>} : memref<16x512xi32, #tpu.memory_space<vmem>>, vector<16xi32>,
        %add3A_109 = arith.addi %get3A_108, %broadcast_in_dim3A : vector<16xi32>
        %gather3A_110 = tpu.vector_load_idx %arg6[%add3A_109] : memref<8192xf32, #tpu.memory_space<vmem>>[vector<16xi32>], vector<16xf32>,
        %swap3A_111 = arith.index_cast %scan3A_10 : i32 to index
        %swap3A_112 = arith.index_cast %scan3A_16 : i32 to index
        %swap3A_113 = arith.constant 160 : index
        %swap3A_114 = tpu.vector_load %arg7[%swap3A_111, %swap3A_112, %swap3A_113] {strides = array<i32>} : memref<16x8x512xf32, #tpu.memory_space<vmem>>, vector<16xf32>,
        tpu.vector_store %arg7[%swap3A_111, %swap3A_112, %swap3A_113], %gather3A_110 {strides = array<i32>} : memref<16x8x512xf32, #tpu.memory_space<vmem>>, vector<16xf32>,
        %get3A_115 = arith.index_cast %scan3A_10 : i32 to index
        %get3A_116 = arith.constant 176 : index
        %get3A_117 = tpu.vector_load %arg5[%get3A_115, %get3A_116] {strides = array<i32>} : memref<16x512xi32, #tpu.memory_space<vmem>>, vector<16xi32>,
        %add3A_118 = arith.addi %get3A_117, %broadcast_in_dim3A : vector<16xi32>
        %gather3A_119 = tpu.vector_load_idx %arg6[%add3A_118] : memref<8192xf32, #tpu.memory_space<vmem>>[vector<16xi32>], vector<16xf32>,
        %swap3A_120 = arith.index_cast %scan3A_10 : i32 to index
        %swap3A_121 = arith.index_cast %scan3A_16 : i32 to index
        %swap3A_122 = arith.constant 176 : index
        %swap3A_123 = tpu.vector_load %arg7[%swap3A_120, %swap3A_121, %swap3A_122] {strides = array<i32>} : memref<16x8x512xf32, #tpu.memory_space<vmem>>, vector<16xf32>,
        tpu.vector_store %arg7[%swap3A_120, %swap3A_121, %swap3A_122], %gather3A_119 {strides = array<i32>} : memref<16x8x512xf32, #tpu.memory_space<vmem>>, vector<16xf32>,
        %get3A_124 = arith.index_cast %scan3A_10 : i32 to index
        %get3A_125 = arith.constant 192 : index
        %get3A_126 = tpu.vector_load %arg5[%get3A_124, %get3A_125] {strides = array<i32>} : memref<16x512xi32, #tpu.memory_space<vmem>>, vector<16xi32>,
        %add3A_127 = arith.addi %get3A_126, %broadcast_in_dim3A : vector<16xi32>
        %gather3A_128 = tpu.vector_load_idx %arg6[%add3A_127] : memref<8192xf32, #tpu.memory_space<vmem>>[vector<16xi32>], vector<16xf32>,
        %swap3A_129 = arith.index_cast %scan3A_10 : i32 to index
        %swap3A_130 = arith.index_cast %scan3A_16 : i32 to index
        %swap3A_131 = arith.constant 192 : index
        %swap3A_132 = tpu.vector_load %arg7[%swap3A_129, %swap3A_130, %swap3A_131] {strides = array<i32>} : memref<16x8x512xf32, #tpu.memory_space<vmem>>, vector<16xf32>,
        tpu.vector_store %arg7[%swap3A_129, %swap3A_130, %swap3A_131], %gather3A_128 {strides = array<i32>} : memref<16x8x512xf32, #tpu.memory_space<vmem>>, vector<16xf32>,
        %get3A_133 = arith.index_cast %scan3A_10 : i32 to index
        %get3A_134 = arith.constant 208 : index
        %get3A_135 = tpu.vector_load %arg5[%get3A_133, %get3A_134] {strides = array<i32>} : memref<16x512xi32, #tpu.memory_space<vmem>>, vector<16xi32>,
        %add3A_136 = arith.addi %get3A_135, %broadcast_in_dim3A : vector<16xi32>
        %gather3A_137 = tpu.vector_load_idx %arg6[%add3A_136] : memref<8192xf32, #tpu.memory_space<vmem>>[vector<16xi32>], vector<16xf32>,
        %swap3A_138 = arith.index_cast %scan3A_10 : i32 to index
        %swap3A_139 = arith.index_cast %scan3A_16 : i32 to index
        %swap3A_140 = arith.constant 208 : index
        %swap3A_141 = tpu.vector_load %arg7[%swap3A_138, %swap3A_139, %swap3A_140] {strides = array<i32>} : memref<16x8x512xf32, #tpu.memory_space<vmem>>, vector<16xf32>,
        tpu.vector_store %arg7[%swap3A_138, %swap3A_139, %swap3A_140], %gather3A_137 {strides = array<i32>} : memref<16x8x512xf32, #tpu.memory_space<vmem>>, vector<16xf32>,
        %get3A_142 = arith.index_cast %scan3A_10 : i32 to index
        %get3A_143 = arith.constant 224 : index
        %get3A_144 = tpu.vector_load %arg5[%get3A_142, %get3A_143] {strides = array<i32>} : memref<16x512xi32, #tpu.memory_space<vmem>>, vector<16xi32>,
        %add3A_145 = arith.addi %get3A_144, %broadcast_in_dim3A : vector<16xi32>
        %gather3A_146 = tpu.vector_load_idx %arg6[%add3A_145] : memref<8192xf32, #tpu.memory_space<vmem>>[vector<16xi32>], vector<16xf32>,
        %swap3A_147 = arith.index_cast %scan3A_10 : i32 to index
        %swap3A_148 = arith.index_cast %scan3A_16 : i32 to index
        %swap3A_149 = arith.constant 224 : index
        %swap3A_150 = tpu.vector_load %arg7[%swap3A_147, %swap3A_148, %swap3A_149] {strides = array<i32>} : memref<16x8x512xf32, #tpu.memory_space<vmem>>, vector<16xf32>,
        tpu.vector_store %arg7[%swap3A_147, %swap3A_148, %swap3A_149], %gather3A_146 {strides = array<i32>} : memref<16x8x512xf32, #tpu.memory_space<vmem>>, vector<16xf32>,
        %get3A_151 = arith.index_cast %scan3A_10 : i32 to index
        %get3A_152 = arith.constant 240 : index
        %get3A_153 = tpu.vector_load %arg5[%get3A_151, %get3A_152] {strides = array<i32>} : memref<16x512xi32, #tpu.memory_space<vmem>>, vector<16xi32>,
        %add3A_154 = arith.addi %get3A_153, %broadcast_in_dim3A : vector<16xi32>
        %gather3A_155 = tpu.vector_load_idx %arg6[%add3A_154] : memref<8192xf32, #tpu.memory_space<vmem>>[vector<16xi32>], vector<16xf32>,
        %swap3A_156 = arith.index_cast %scan3A_10 : i32 to index
        %swap3A_157 = arith.index_cast %scan3A_16 : i32 to index
        %swap3A_158 = arith.constant 240 : index
        %swap3A_159 = tpu.vector_load %arg7[%swap3A_156, %swap3A_157, %swap3A_158] {strides = array<i32>} : memref<16x8x512xf32, #tpu.memory_space<vmem>>, vector<16xf32>,
        tpu.vector_store %arg7[%swap3A_156, %swap3A_157, %swap3A_158], %gather3A_155 {strides = array<i32>} : memref<16x8x512xf32, #tpu.memory_space<vmem>>, vector<16xf32>,
        %get3A_160 = arith.index_cast %scan3A_10 : i32 to index
        %get3A_161 = arith.constant 256 : index
        %get3A_162 = tpu.vector_load %arg5[%get3A_160, %get3A_161] {strides = array<i32>} : memref<16x512xi32, #tpu.memory_space<vmem>>, vector<16xi32>,
        %add3A_163 = arith.addi %get3A_162, %broadcast_in_dim3A : vector<16xi32>
        %gather3A_164 = tpu.vector_load_idx %arg6[%add3A_163] : memref<8192xf32, #tpu.memory_space<vmem>>[vector<16xi32>], vector<16xf32>,
        %swap3A_165 = arith.index_cast %scan3A_10 : i32 to index
        %swap3A_166 = arith.index_cast %scan3A_16 : i32 to index
        %swap3A_167 = arith.constant 256 : index
        %swap3A_168 = tpu.vector_load %arg7[%swap3A_165, %swap3A_166, %swap3A_167] {strides = array<i32>} : memref<16x8x512xf32, #tpu.memory_space<vmem>>, vector<16xf32>,
        tpu.vector_store %arg7[%swap3A_165, %swap3A_166, %swap3A_167], %gather3A_164 {strides = array<i32>} : memref<16x8x512xf32, #tpu.memory_space<vmem>>, vector<16xf32>,
        %get3A_169 = arith.index_cast %scan3A_10 : i32 to index
        %get3A_170 = arith.constant 272 : index
        %get3A_171 = tpu.vector_load %arg5[%get3A_169, %get3A_170] {strides = array<i32>} : memref<16x512xi32, #tpu.memory_space<vmem>>, vector<16xi32>,
        %add3A_172 = arith.addi %get3A_171, %broadcast_in_dim3A : vector<16xi32>
        %gather3A_173 = tpu.vector_load_idx %arg6[%add3A_172] : memref<8192xf32, #tpu.memory_space<vmem>>[vector<16xi32>], vector<16xf32>,
        %swap3A_174 = arith.index_cast %scan3A_10 : i32 to index
        %swap3A_175 = arith.index_cast %scan3A_16 : i32 to index
        %swap3A_176 = arith.constant 272 : index
        %swap3A_177 = tpu.vector_load %arg7[%swap3A_174, %swap3A_175, %swap3A_176] {strides = array<i32>} : memref<16x8x512xf32, #tpu.memory_space<vmem>>, vector<16xf32>,
        tpu.vector_store %arg7[%swap3A_174, %swap3A_175, %swap3A_176], %gather3A_173 {strides = array<i32>} : memref<16x8x512xf32, #tpu.memory_space<vmem>>, vector<16xf32>,
        %get3A_178 = arith.index_cast %scan3A_10 : i32 to index
        %get3A_179 = arith.constant 288 : index
        %get3A_180 = tpu.vector_load %arg5[%get3A_178, %get3A_179] {strides = array<i32>} : memref<16x512xi32, #tpu.memory_space<vmem>>, vector<16xi32>,
        %add3A_181 = arith.addi %get3A_180, %broadcast_in_dim3A : vector<16xi32>
        %gather3A_182 = tpu.vector_load_idx %arg6[%add3A_181] : memref<8192xf32, #tpu.memory_space<vmem>>[vector<16xi32>], vector<16xf32>,
        %swap3A_183 = arith.index_cast %scan3A_10 : i32 to index
        %swap3A_184 = arith.index_cast %scan3A_16 : i32 to index
        %swap3A_185 = arith.constant 288 : index
        %swap3A_186 = tpu.vector_load %arg7[%swap3A_183, %swap3A_184, %swap3A_185] {strides = array<i32>} : memref<16x8x512xf32, #tpu.memory_space<vmem>>, vector<16xf32>,
        tpu.vector_store %arg7[%swap3A_183, %swap3A_184, %swap3A_185], %gather3A_182 {strides = array<i32>} : memref<16x8x512xf32, #tpu.memory_space<vmem>>, vector<16xf32>,
        %get3A_187 = arith.index_cast %scan3A_10 : i32 to index
        %get3A_188 = arith.constant 304 : index
        %get3A_189 = tpu.vector_load %arg5[%get3A_187, %get3A_188] {strides = array<i32>} : memref<16x512xi32, #tpu.memory_space<vmem>>, vector<16xi32>,
        %add3A_190 = arith.addi %get3A_189, %broadcast_in_dim3A : vector<16xi32>
        %gather3A_191 = tpu.vector_load_idx %arg6[%add3A_190] : memref<8192xf32, #tpu.memory_space<vmem>>[vector<16xi32>], vector<16xf32>,
        %swap3A_192 = arith.index_cast %scan3A_10 : i32 to index
        %swap3A_193 = arith.index_cast %scan3A_16 : i32 to index
        %swap3A_194 = arith.constant 304 : index
        %swap3A_195 = tpu.vector_load %arg7[%swap3A_192, %swap3A_193, %swap3A_194] {strides = array<i32>} : memref<16x8x512xf32, #tpu.memory_space<vmem>>, vector<16xf32>,
        tpu.vector_store %arg7[%swap3A_192, %swap3A_193, %swap3A_194], %gather3A_191 {strides = array<i32>} : memref<16x8x512xf32, #tpu.memory_space<vmem>>, vector<16xf32>,
        %get3A_196 = arith.index_cast %scan3A_10 : i32 to index
        %get3A_197 = arith.constant 320 : index
        %get3A_198 = tpu.vector_load %arg5[%get3A_196, %get3A_197] {strides = array<i32>} : memref<16x512xi32, #tpu.memory_space<vmem>>, vector<16xi32>,
        %add3A_199 = arith.addi %get3A_198, %broadcast_in_dim3A : vector<16xi32>
        %gather3A_200 = tpu.vector_load_idx %arg6[%add3A_199] : memref<8192xf32, #tpu.memory_space<vmem>>[vector<16xi32>], vector<16xf32>,
        %swap3A_201 = arith.index_cast %scan3A_10 : i32 to index
        %swap3A_202 = arith.index_cast %scan3A_16 : i32 to index
        %swap3A_203 = arith.constant 320 : index
        %swap3A_204 = tpu.vector_load %arg7[%swap3A_201, %swap3A_202, %swap3A_203] {strides = array<i32>} : memref<16x8x512xf32, #tpu.memory_space<vmem>>, vector<16xf32>,
        tpu.vector_store %arg7[%swap3A_201, %swap3A_202, %swap3A_203], %gather3A_200 {strides = array<i32>} : memref<16x8x512xf32, #tpu.memory_space<vmem>>, vector<16xf32>,
        %get3A_205 = arith.index_cast %scan3A_10 : i32 to index
        %get3A_206 = arith.constant 336 : index
        %get3A_207 = tpu.vector_load %arg5[%get3A_205, %get3A_206] {strides = array<i32>} : memref<16x512xi32, #tpu.memory_space<vmem>>, vector<16xi32>,
        %add3A_208 = arith.addi %get3A_207, %broadcast_in_dim3A : vector<16xi32>
        %gather3A_209 = tpu.vector_load_idx %arg6[%add3A_208] : memref<8192xf32, #tpu.memory_space<vmem>>[vector<16xi32>], vector<16xf32>,
        %swap3A_210 = arith.index_cast %scan3A_10 : i32 to index
        %swap3A_211 = arith.index_cast %scan3A_16 : i32 to index
        %swap3A_212 = arith.constant 336 : index
        %swap3A_213 = tpu.vector_load %arg7[%swap3A_210, %swap3A_211, %swap3A_212] {strides = array<i32>} : memref<16x8x512xf32, #tpu.memory_space<vmem>>, vector<16xf32>,
        tpu.vector_store %arg7[%swap3A_210, %swap3A_211, %swap3A_212], %gather3A_209 {strides = array<i32>} : memref<16x8x512xf32, #tpu.memory_space<vmem>>, vector<16xf32>,
        %get3A_214 = arith.index_cast %scan3A_10 : i32 to index
        %get3A_215 = arith.constant 352 : index
        %get3A_216 = tpu.vector_load %arg5[%get3A_214, %get3A_215] {strides = array<i32>} : memref<16x512xi32, #tpu.memory_space<vmem>>, vector<16xi32>,
        %add3A_217 = arith.addi %get3A_216, %broadcast_in_dim3A : vector<16xi32>
        %gather3A_218 = tpu.vector_load_idx %arg6[%add3A_217] : memref<8192xf32, #tpu.memory_space<vmem>>[vector<16xi32>], vector<16xf32>,
        %swap3A_219 = arith.index_cast %scan3A_10 : i32 to index
        %swap3A_220 = arith.index_cast %scan3A_16 : i32 to index
        %swap3A_221 = arith.constant 352 : index
        %swap3A_222 = tpu.vector_load %arg7[%swap3A_219, %swap3A_220, %swap3A_221] {strides = array<i32>} : memref<16x8x512xf32, #tpu.memory_space<vmem>>, vector<16xf32>,
        tpu.vector_store %arg7[%swap3A_219, %swap3A_220, %swap3A_221], %gather3A_218 {strides = array<i32>} : memref<16x8x512xf32, #tpu.memory_space<vmem>>, vector<16xf32>,
        %get3A_223 = arith.index_cast %scan3A_10 : i32 to index
        %get3A_224 = arith.constant 368 : index
        %get3A_225 = tpu.vector_load %arg5[%get3A_223, %get3A_224] {strides = array<i32>} : memref<16x512xi32, #tpu.memory_space<vmem>>, vector<16xi32>,
        %add3A_226 = arith.addi %get3A_225, %broadcast_in_dim3A : vector<16xi32>
        %gather3A_227 = tpu.vector_load_idx %arg6[%add3A_226] : memref<8192xf32, #tpu.memory_space<vmem>>[vector<16xi32>], vector<16xf32>,
        %swap3A_228 = arith.index_cast %scan3A_10 : i32 to index
        %swap3A_229 = arith.index_cast %scan3A_16 : i32 to index
        %swap3A_230 = arith.constant 368 : index
        %swap3A_231 = tpu.vector_load %arg7[%swap3A_228, %swap3A_229, %swap3A_230] {strides = array<i32>} : memref<16x8x512xf32, #tpu.memory_space<vmem>>, vector<16xf32>,
        tpu.vector_store %arg7[%swap3A_228, %swap3A_229, %swap3A_230], %gather3A_227 {strides = array<i32>} : memref<16x8x512xf32, #tpu.memory_space<vmem>>, vector<16xf32>,
        %get3A_232 = arith.index_cast %scan3A_10 : i32 to index
        %get3A_233 = arith.constant 384 : index
        %get3A_234 = tpu.vector_load %arg5[%get3A_232, %get3A_233] {strides = array<i32>} : memref<16x512xi32, #tpu.memory_space<vmem>>, vector<16xi32>,
        %add3A_235 = arith.addi %get3A_234, %broadcast_in_dim3A : vector<16xi32>
        %gather3A_236 = tpu.vector_load_idx %arg6[%add3A_235] : memref<8192xf32, #tpu.memory_space<vmem>>[vector<16xi32>], vector<16xf32>,
        %swap3A_237 = arith.index_cast %scan3A_10 : i32 to index
        %swap3A_238 = arith.index_cast %scan3A_16 : i32 to index
        %swap3A_239 = arith.constant 384 : index
        %swap3A_240 = tpu.vector_load %arg7[%swap3A_237, %swap3A_238, %swap3A_239] {strides = array<i32>} : memref<16x8x512xf32, #tpu.memory_space<vmem>>, vector<16xf32>,
        tpu.vector_store %arg7[%swap3A_237, %swap3A_238, %swap3A_239], %gather3A_236 {strides = array<i32>} : memref<16x8x512xf32, #tpu.memory_space<vmem>>, vector<16xf32>,
        %get3A_241 = arith.index_cast %scan3A_10 : i32 to index
        %get3A_242 = arith.constant 400 : index
        %get3A_243 = tpu.vector_load %arg5[%get3A_241, %get3A_242] {strides = array<i32>} : memref<16x512xi32, #tpu.memory_space<vmem>>, vector<16xi32>,
        %add3A_244 = arith.addi %get3A_243, %broadcast_in_dim3A : vector<16xi32>
        %gather3A_245 = tpu.vector_load_idx %arg6[%add3A_244] : memref<8192xf32, #tpu.memory_space<vmem>>[vector<16xi32>], vector<16xf32>,
        %swap3A_246 = arith.index_cast %scan3A_10 : i32 to index
        %swap3A_247 = arith.index_cast %scan3A_16 : i32 to index
        %swap3A_248 = arith.constant 400 : index
        %swap3A_249 = tpu.vector_load %arg7[%swap3A_246, %swap3A_247, %swap3A_248] {strides = array<i32>} : memref<16x8x512xf32, #tpu.memory_space<vmem>>, vector<16xf32>,
        tpu.vector_store %arg7[%swap3A_246, %swap3A_247, %swap3A_248], %gather3A_245 {strides = array<i32>} : memref<16x8x512xf32, #tpu.memory_space<vmem>>, vector<16xf32>,
        %get3A_250 = arith.index_cast %scan3A_10 : i32 to index
        %get3A_251 = arith.constant 416 : index
        %get3A_252 = tpu.vector_load %arg5[%get3A_250, %get3A_251] {strides = array<i32>} : memref<16x512xi32, #tpu.memory_space<vmem>>, vector<16xi32>,
        %add3A_253 = arith.addi %get3A_252, %broadcast_in_dim3A : vector<16xi32>
        %gather3A_254 = tpu.vector_load_idx %arg6[%add3A_253] : memref<8192xf32, #tpu.memory_space<vmem>>[vector<16xi32>], vector<16xf32>,
        %swap3A_255 = arith.index_cast %scan3A_10 : i32 to index
        %swap3A_256 = arith.index_cast %scan3A_16 : i32 to index
        %swap3A_257 = arith.constant 416 : index
        %swap3A_258 = tpu.vector_load %arg7[%swap3A_255, %swap3A_256, %swap3A_257] {strides = array<i32>} : memref<16x8x512xf32, #tpu.memory_space<vmem>>, vector<16xf32>,
        tpu.vector_store %arg7[%swap3A_255, %swap3A_256, %swap3A_257], %gather3A_254 {strides = array<i32>} : memref<16x8x512xf32, #tpu.memory_space<vmem>>, vector<16xf32>,
        %get3A_259 = arith.index_cast %scan3A_10 : i32 to index
        %get3A_260 = arith.constant 432 : index
        %get3A_261 = tpu.vector_load %arg5[%get3A_259, %get3A_260] {strides = array<i32>} : memref<16x512xi32, #tpu.memory_space<vmem>>, vector<16xi32>,
        %add3A_262 = arith.addi %get3A_261, %broadcast_in_dim3A : vector<16xi32>
        %gather3A_263 = tpu.vector_load_idx %arg6[%add3A_262] : memref<8192xf32, #tpu.memory_space<vmem>>[vector<16xi32>], vector<16xf32>,
        %swap3A_264 = arith.index_cast %scan3A_10 : i32 to index
        %swap3A_265 = arith.index_cast %scan3A_16 : i32 to index
        %swap3A_266 = arith.constant 432 : index
        %swap3A_267 = tpu.vector_load %arg7[%swap3A_264, %swap3A_265, %swap3A_266] {strides = array<i32>} : memref<16x8x512xf32, #tpu.memory_space<vmem>>, vector<16xf32>,
        tpu.vector_store %arg7[%swap3A_264, %swap3A_265, %swap3A_266], %gather3A_263 {strides = array<i32>} : memref<16x8x512xf32, #tpu.memory_space<vmem>>, vector<16xf32>,
        %get3A_268 = arith.index_cast %scan3A_10 : i32 to index
        %get3A_269 = arith.constant 448 : index
        %get3A_270 = tpu.vector_load %arg5[%get3A_268, %get3A_269] {strides = array<i32>} : memref<16x512xi32, #tpu.memory_space<vmem>>, vector<16xi32>,
        %add3A_271 = arith.addi %get3A_270, %broadcast_in_dim3A : vector<16xi32>
        %gather3A_272 = tpu.vector_load_idx %arg6[%add3A_271] : memref<8192xf32, #tpu.memory_space<vmem>>[vector<16xi32>], vector<16xf32>,
        %swap3A_273 = arith.index_cast %scan3A_10 : i32 to index
        %swap3A_274 = arith.index_cast %scan3A_16 : i32 to index
        %swap3A_275 = arith.constant 448 : index
        %swap3A_276 = tpu.vector_load %arg7[%swap3A_273, %swap3A_274, %swap3A_275] {strides = array<i32>} : memref<16x8x512xf32, #tpu.memory_space<vmem>>, vector<16xf32>,
        tpu.vector_store %arg7[%swap3A_273, %swap3A_274, %swap3A_275], %gather3A_272 {strides = array<i32>} : memref<16x8x512xf32, #tpu.memory_space<vmem>>, vector<16xf32>,
        %get3A_277 = arith.index_cast %scan3A_10 : i32 to index
        %get3A_278 = arith.constant 464 : index
        %get3A_279 = tpu.vector_load %arg5[%get3A_277, %get3A_278] {strides = array<i32>} : memref<16x512xi32, #tpu.memory_space<vmem>>, vector<16xi32>,
        %add3A_280 = arith.addi %get3A_279, %broadcast_in_dim3A : vector<16xi32>
        %gather3A_281 = tpu.vector_load_idx %arg6[%add3A_280] : memref<8192xf32, #tpu.memory_space<vmem>>[vector<16xi32>], vector<16xf32>,
        %swap3A_282 = arith.index_cast %scan3A_10 : i32 to index
        %swap3A_283 = arith.index_cast %scan3A_16 : i32 to index
        %swap3A_284 = arith.constant 464 : index
        %swap3A_285 = tpu.vector_load %arg7[%swap3A_282, %swap3A_283, %swap3A_284] {strides = array<i32>} : memref<16x8x512xf32, #tpu.memory_space<vmem>>, vector<16xf32>,
        tpu.vector_store %arg7[%swap3A_282, %swap3A_283, %swap3A_284], %gather3A_281 {strides = array<i32>} : memref<16x8x512xf32, #tpu.memory_space<vmem>>, vector<16xf32>,
        %get3A_286 = arith.index_cast %scan3A_10 : i32 to index
        %get3A_287 = arith.constant 480 : index
        %get3A_288 = tpu.vector_load %arg5[%get3A_286, %get3A_287] {strides = array<i32>} : memref<16x512xi32, #tpu.memory_space<vmem>>, vector<16xi32>,
        %add3A_289 = arith.addi %get3A_288, %broadcast_in_dim3A : vector<16xi32>
        %gather3A_290 = tpu.vector_load_idx %arg6[%add3A_289] : memref<8192xf32, #tpu.memory_space<vmem>>[vector<16xi32>], vector<16xf32>,
        %swap3A_291 = arith.index_cast %scan3A_10 : i32 to index
        %swap3A_292 = arith.index_cast %scan3A_16 : i32 to index
        %swap3A_293 = arith.constant 480 : index
        %swap3A_294 = tpu.vector_load %arg7[%swap3A_291, %swap3A_292, %swap3A_293] {strides = array<i32>} : memref<16x8x512xf32, #tpu.memory_space<vmem>>, vector<16xf32>,
        tpu.vector_store %arg7[%swap3A_291, %swap3A_292, %swap3A_293], %gather3A_290 {strides = array<i32>} : memref<16x8x512xf32, #tpu.memory_space<vmem>>, vector<16xf32>,
        %get3A_295 = arith.index_cast %scan3A_10 : i32 to index
        %get3A_296 = arith.constant 496 : index
        %get3A_297 = tpu.vector_load %arg5[%get3A_295, %get3A_296] {strides = array<i32>} : memref<16x512xi32, #tpu.memory_space<vmem>>, vector<16xi32>,
        %add3A_298 = arith.addi %get3A_297, %broadcast_in_dim3A : vector<16xi32>
        %gather3A_299 = tpu.vector_load_idx %arg6[%add3A_298] : memref<8192xf32, #tpu.memory_space<vmem>>[vector<16xi32>], vector<16xf32>,
        %swap3A_300 = arith.index_cast %scan3A_10 : i32 to index
        %swap3A_301 = arith.index_cast %scan3A_16 : i32 to index
        %swap3A_302 = arith.constant 496 : index
        %swap3A_303 = tpu.vector_load %arg7[%swap3A_300, %swap3A_301, %swap3A_302] {strides = array<i32>} : memref<16x8x512xf32, #tpu.memory_space<vmem>>, vector<16xf32>,
        tpu.vector_store %arg7[%swap3A_300, %swap3A_301, %swap3A_302], %gather3A_299 {strides = array<i32>} : memref<16x8x512xf32, #tpu.memory_space<vmem>>, vector<16xf32>,
      }
      %scan3A_15 = arith.constant 8 : i32
    }
    %scan3A_9 = arith.constant 16 : i32
    "tpu.region"() ({
      %run_scoped3A = tpu.sem_alloc : memref<!tpu.dma_semaphore, #tpu.memory_space<semaphore_mem>>
      %dma_start3A = arith.constant 0 : i32
      %dma_start3A_10 = arith.constant 0 : i32
      %dma_start3A_11 = tpu.memref_slice %arg4[%dma_start3A, %mul3A_2, %dma_start3A_10] : memref<16x256x512xf32, #tpu.memory_space<hbm>> -> memref<16x8x512xf32, #tpu.memory_space<hbm>>
      %dma_start3A_12 = arith.constant 0 : i32
      %dma_start3A_13 = arith.constant 0 : i32
      %dma_start3A_14 = tpu.memref_slice %arg4[%dma_start3A_12, %mul3A_2, %dma_start3A_13] : memref<16x256x512xf32, #tpu.memory_space<hbm>> -> memref<16x8x512xf32, #tpu.memory_space<hbm>>
      tpu.enqueue_dma source(%arg7 : memref<16x8x512xf32, #tpu.memory_space<vmem>>) target(%dma_start3A_14 : memref<16x8x512xf32, #tpu.memory_space<hbm>>) target_semaphore(%run_scoped3A : memref<!tpu.dma_semaphore, #tpu.memory_space<semaphore_mem>>)
      %dma_wait3A = arith.constant 0 : i32
      %dma_wait3A_15 = arith.constant 0 : i32
      %dma_wait3A_16 = tpu.memref_slice %arg4[%dma_wait3A, %mul3A_2, %dma_wait3A_15] : memref<16x256x512xf32, #tpu.memory_space<hbm>> -> memref<16x8x512xf32, #tpu.memory_space<hbm>>
      %dma_wait3A_17 = arith.constant 0 : i32
      %dma_wait3A_18 = arith.constant 0 : i32
      %dma_wait3A_19 = tpu.memref_slice %arg4[%dma_wait3A_17, %mul3A_2, %dma_wait3A_18] : memref<16x256x512xf32, #tpu.memory_space<hbm>> -> memref<16x8x512xf32, #tpu.memory_space<hbm>>
      tpu.wait_dma2 semaphore(%run_scoped3A : memref<!tpu.dma_semaphore, #tpu.memory_space<semaphore_mem>>) src(%arg7 : memref<16x8x512xf32, #tpu.memory_space<vmem>>) dst(%dma_wait3A_19 : memref<16x8x512xf32, #tpu.memory_space<hbm>>)
      tpu.yield
    }) : () -> ()
    return
  }
}

module attributes {stable_mosaic.version = 14 : i64} {
  func.func @_tc_body(%arg0: i32, %arg1: memref<1x128x2048xf32, #tpu.memory_space<vmem>>, %arg2: memref<512x384xbf16, #tpu.memory_space<vmem>>, %arg3: memref<1x384xf32, #tpu.memory_space<vmem>>, %arg4: memref<1536x384xbf16, #tpu.memory_space<vmem>>, %arg5: memref<1x384xf32, #tpu.memory_space<vmem>>, %arg6: memref<384x256xbf16, #tpu.memory_space<vmem>>, %arg7: memref<1x256xf32, #tpu.memory_space<vmem>>, %arg8: memref<1024x256xf32, #tpu.memory_space<vmem>>, %arg9: memref<1024x256xbf16, #tpu.memory_space<vmem>>, %arg10: memref<1x512x1xi32, #tpu.memory_space<vmem>>, %arg11: memref<1x1xf32, #tpu.memory_space<vmem>>) attributes {dimension_semantics = [#tpu.dimension_semantics<arbitrary>], iteration_bounds = array<i64: 16>, scalar_prefetch = 0 : i64, scratch_operands = 0 : i64, tpu.core_type = #tpu.core_type<tc>, window_params = [{transform_indices = @transform_0, window_bounds = array<i64: 1, 128, 2048>}, {pipeline_mode = #tpu.pipeline_mode<synchronous>, transform_indices = @transform_1, window_bounds = array<i64: 512, 384>}, {pipeline_mode = #tpu.pipeline_mode<synchronous>, transform_indices = @transform_2, window_bounds = array<i64: 1, 384>}, {pipeline_mode = #tpu.pipeline_mode<synchronous>, transform_indices = @transform_3, window_bounds = array<i64: 1536, 384>}, {pipeline_mode = #tpu.pipeline_mode<synchronous>, transform_indices = @transform_4, window_bounds = array<i64: 1, 384>}, {pipeline_mode = #tpu.pipeline_mode<synchronous>, transform_indices = @transform_5, window_bounds = array<i64: 384, 256>}, {pipeline_mode = #tpu.pipeline_mode<synchronous>, transform_indices = @transform_6, window_bounds = array<i64: 1, 256>}, {pipeline_mode = #tpu.pipeline_mode<synchronous>, transform_indices = @transform_7, window_bounds = array<i64: 1024, 256>}, {pipeline_mode = #tpu.pipeline_mode<synchronous>, transform_indices = @transform_8, window_bounds = array<i64: 1024, 256>}, {transform_indices = @transform_9, window_bounds = array<i64: 1, 512, 1>}, {pipeline_mode = #tpu.pipeline_mode<synchronous>, transform_indices = @transform_10, window_bounds = array<i64: 1, 1>}]} {
    %get3A = arith.constant 0 : index
    %get3A_0 = arith.constant 0 : index
    %get3A_1 = arith.constant 0 : index
    %get3A_2 = vector.load %arg1[%get3A, %get3A_0, %get3A_1] : memref<1x128x2048xf32, #tpu.memory_space<vmem>>, vector<1x128x2048xf32>
    %get3A_3 = vector.shape_cast %get3A_2 : vector<1x128x2048xf32> to vector<128x2048xf32>
    %convert_element_type3A = arith.truncf %get3A_3 : vector<128x2048xf32> to vector<128x2048xbf16>
    %transpose3A = tpu.transpose %convert_element_type3A, [1, 0] : vector<128x2048xbf16> -> vector<2048x128xbf16>
    %reshape3A = vector.shape_cast %transpose3A : vector<2048x128xbf16> to vector<1024x256xbf16>
    %slice3A = vector.extract_strided_slice %reshape3A {offsets = [0, 128], sizes = [1024, 128], strides = [1, 1]} : vector<1024x256xbf16> to vector<1024x128xbf16>
    %broadcast_in_dim3A = arith.constant 0.000000e+00 : bf16
    %broadcast_in_dim3A_4 = vector.broadcast %broadcast_in_dim3A : bf16 to vector<1x128xbf16>
    %slice3A_5 = vector.extract_strided_slice %slice3A {offsets = [0, 0], sizes = [1023, 128], strides = [1, 1]} : vector<1024x128xbf16> to vector<1023x128xbf16>
    %concatenate3A = tpu.concatenate %broadcast_in_dim3A_4, %slice3A_5 in 0 : vector<1x128xbf16>, vector<1023x128xbf16> -> vector<1024x128xbf16>
    %slice3A_6 = vector.extract_strided_slice %reshape3A {offsets = [0, 0], sizes = [1024, 128], strides = [1, 1]} : vector<1024x256xbf16> to vector<1024x128xbf16>
    %broadcast_in_dim3A_7 = arith.constant 0.000000e+00 : bf16
    %broadcast_in_dim3A_8 = vector.broadcast %broadcast_in_dim3A_7 : bf16 to vector<1x128xbf16>
    %slice3A_9 = vector.extract_strided_slice %slice3A_6 {offsets = [1, 0], sizes = [1023, 128], strides = [1, 1]} : vector<1024x128xbf16> to vector<1023x128xbf16>
    %concatenate3A_10 = tpu.concatenate %slice3A_9, %broadcast_in_dim3A_8 in 0 : vector<1023x128xbf16>, vector<1x128xbf16> -> vector<1024x128xbf16>
    %concatenate3A_11 = tpu.concatenate %concatenate3A, %reshape3A, %concatenate3A_10 in 1 : vector<1024x128xbf16>, vector<1024x256xbf16>, vector<1024x128xbf16> -> vector<1024x512xbf16>
    %get3A_12 = arith.constant 0 : index
    %get3A_13 = arith.constant 0 : index
    %get3A_14 = vector.load %arg2[%get3A_12, %get3A_13] : memref<512x384xbf16, #tpu.memory_space<vmem>>, vector<512x384xbf16>
    %dot_general3A = arith.constant dense<0.000000e+00> : vector<1024x384xf32>
    %dot_general3A_15 = tpu.matmul %concatenate3A_11, %get3A_14, %dot_general3A {dimension_numbers = #tpu.dot_dimension_numbers<[1], [0], [0], [1], [0, 0, 1, 1], [], []>, transpose_lhs_hint = false} : vector<1024x512xbf16>, vector<512x384xbf16>, vector<1024x384xf32> -> vector<1024x384xf32>
    %get3A_16 = arith.constant 0 : index
    %get3A_17 = arith.constant 0 : index
    %get3A_18 = vector.load %arg3[%get3A_16, %get3A_17] : memref<1x384xf32, #tpu.memory_space<vmem>>, vector<1x384xf32>
    %add3A = vector.broadcast %get3A_18 : vector<1x384xf32> to vector<1024x384xf32>
    %add3A_19 = arith.addf %dot_general3A_15, %add3A : vector<1024x384xf32>
    %max3A = arith.constant 0.000000e+00 : f32
    %max3A_20 = vector.broadcast %max3A : f32 to vector<1024x384xf32>
    %max3A_21 = arith.maximumf %add3A_19, %max3A_20 : vector<1024x384xf32>
    %convert_element_type3A_22 = arith.truncf %max3A_21 : vector<1024x384xf32> to vector<1024x384xbf16>
    %reshape3A_23 = vector.shape_cast %convert_element_type3A_22 : vector<1024x384xbf16> to vector<512x768xbf16>
    %slice3A_24 = vector.extract_strided_slice %reshape3A_23 {offsets = [0, 384], sizes = [512, 384], strides = [1, 1]} : vector<512x768xbf16> to vector<512x384xbf16>
    %broadcast_in_dim3A_25 = arith.constant 0.000000e+00 : bf16
    %broadcast_in_dim3A_26 = vector.broadcast %broadcast_in_dim3A_25 : bf16 to vector<1x384xbf16>
    %slice3A_27 = vector.extract_strided_slice %slice3A_24 {offsets = [0, 0], sizes = [511, 384], strides = [1, 1]} : vector<512x384xbf16> to vector<511x384xbf16>
    %concatenate3A_28 = tpu.concatenate %broadcast_in_dim3A_26, %slice3A_27 in 0 : vector<1x384xbf16>, vector<511x384xbf16> -> vector<512x384xbf16>
    %slice3A_29 = vector.extract_strided_slice %reshape3A_23 {offsets = [0, 0], sizes = [512, 384], strides = [1, 1]} : vector<512x768xbf16> to vector<512x384xbf16>
    %broadcast_in_dim3A_30 = arith.constant 0.000000e+00 : bf16
    %broadcast_in_dim3A_31 = vector.broadcast %broadcast_in_dim3A_30 : bf16 to vector<1x384xbf16>
    %slice3A_32 = vector.extract_strided_slice %slice3A_29 {offsets = [1, 0], sizes = [511, 384], strides = [1, 1]} : vector<512x384xbf16> to vector<511x384xbf16>
    %concatenate3A_33 = tpu.concatenate %slice3A_32, %broadcast_in_dim3A_31 in 0 : vector<511x384xbf16>, vector<1x384xbf16> -> vector<512x384xbf16>
    %concatenate3A_34 = tpu.concatenate %concatenate3A_28, %reshape3A_23, %concatenate3A_33 in 1 : vector<512x384xbf16>, vector<512x768xbf16>, vector<512x384xbf16> -> vector<512x1536xbf16>
    %get3A_35 = arith.constant 0 : index
    %get3A_36 = arith.constant 0 : index
    %get3A_37 = vector.load %arg4[%get3A_35, %get3A_36] : memref<1536x384xbf16, #tpu.memory_space<vmem>>, vector<1536x384xbf16>
    %dot_general3A_38 = arith.constant dense<0.000000e+00> : vector<512x384xf32>
    %dot_general3A_39 = tpu.matmul %concatenate3A_34, %get3A_37, %dot_general3A_38 {dimension_numbers = #tpu.dot_dimension_numbers<[1], [0], [0], [1], [0, 0, 1, 1], [], []>, transpose_lhs_hint = false} : vector<512x1536xbf16>, vector<1536x384xbf16>, vector<512x384xf32> -> vector<512x384xf32>
    %get3A_40 = arith.constant 0 : index
    %get3A_41 = arith.constant 0 : index
    %get3A_42 = vector.load %arg5[%get3A_40, %get3A_41] : memref<1x384xf32, #tpu.memory_space<vmem>>, vector<1x384xf32>
    %add3A_43 = vector.broadcast %get3A_42 : vector<1x384xf32> to vector<512x384xf32>
    %add3A_44 = arith.addf %dot_general3A_39, %add3A_43 : vector<512x384xf32>
    %max3A_45 = arith.constant 0.000000e+00 : f32
    %max3A_46 = vector.broadcast %max3A_45 : f32 to vector<512x384xf32>
    %max3A_47 = arith.maximumf %add3A_44, %max3A_46 : vector<512x384xf32>
    %convert_element_type3A_48 = arith.truncf %max3A_47 : vector<512x384xf32> to vector<512x384xbf16>
    %get3A_49 = arith.constant 0 : index
    %get3A_50 = arith.constant 0 : index
    %get3A_51 = vector.load %arg6[%get3A_49, %get3A_50] : memref<384x256xbf16, #tpu.memory_space<vmem>>, vector<384x256xbf16>
    %dot_general3A_52 = arith.constant dense<0.000000e+00> : vector<512x256xf32>
    %dot_general3A_53 = tpu.matmul %convert_element_type3A_48, %get3A_51, %dot_general3A_52 {dimension_numbers = #tpu.dot_dimension_numbers<[1], [0], [0], [1], [0, 0, 1, 1], [], []>, transpose_lhs_hint = false} : vector<512x384xbf16>, vector<384x256xbf16>, vector<512x256xf32> -> vector<512x256xf32>
    %get3A_54 = arith.constant 0 : index
    %get3A_55 = arith.constant 0 : index
    %get3A_56 = vector.load %arg7[%get3A_54, %get3A_55] : memref<1x256xf32, #tpu.memory_space<vmem>>, vector<1x256xf32>
    %add3A_57 = vector.broadcast %get3A_56 : vector<1x256xf32> to vector<512x256xf32>
    %add3A_58 = arith.addf %dot_general3A_53, %add3A_57 : vector<512x256xf32>
    %get3A_59 = arith.constant 0 : index
    %get3A_60 = arith.constant 0 : index
    %get3A_61 = vector.load %arg8[%get3A_59, %get3A_60] : memref<1024x256xf32, #tpu.memory_space<vmem>>, vector<1024x256xf32>
    %convert_element_type3A_62 = arith.truncf %add3A_58 : vector<512x256xf32> to vector<512x256xbf16>
    %get3A_63 = arith.constant 0 : index
    %get3A_64 = arith.constant 0 : index
    %get3A_65 = vector.load %arg9[%get3A_63, %get3A_64] : memref<1024x256xbf16, #tpu.memory_space<vmem>>, vector<1024x256xbf16>
    %dot_general3A_66 = arith.constant dense<0.000000e+00> : vector<512x1024xf32>
    %dot_general3A_67 = tpu.matmul %convert_element_type3A_62, %get3A_65, %dot_general3A_66 {dimension_numbers = #tpu.dot_dimension_numbers<[1], [1], [0], [0], [0, 0, 1, 0], [], []>, transpose_lhs_hint = false} : vector<512x256xbf16>, vector<1024x256xbf16>, vector<512x1024xf32> -> vector<512x1024xf32>
    %mul3A = arith.mulf %add3A_58, %add3A_58 : vector<512x256xf32>
    %reduce_sum3A = arith.constant dense<0.000000e+00> : vector<512xf32>
    %reduce_sum3A_68 = vector.multi_reduction <add>, %mul3A, %reduce_sum3A [1] : vector<512x256xf32> to vector<512xf32>
    %broadcast_in_dim3A_69 = vector.shape_cast %reduce_sum3A_68 : vector<512xf32> to vector<512x1xf32>
    %mul3A_70 = arith.mulf %get3A_61, %get3A_61 : vector<1024x256xf32>
    %reduce_sum3A_71 = arith.constant dense<0.000000e+00> : vector<1024xf32>
    %reduce_sum3A_72 = vector.multi_reduction <add>, %mul3A_70, %reduce_sum3A_71 [1] : vector<1024x256xf32> to vector<1024xf32>
    %broadcast_in_dim3A_73 = vector.shape_cast %reduce_sum3A_72 : vector<1024xf32> to vector<1024x1xf32>
    %mul3A_74 = arith.constant 2.000000e+00 : f32
    %mul3A_75 = vector.broadcast %mul3A_74 : f32 to vector<512x1024xf32>
    %mul3A_76 = arith.mulf %mul3A_75, %dot_general3A_67 : vector<512x1024xf32>
    %sub3A = vector.broadcast %broadcast_in_dim3A_69 : vector<512x1xf32> to vector<512x1024xf32>
    %sub3A_77 = arith.subf %sub3A, %mul3A_76 : vector<512x1024xf32>
    %reshape3A_78 = vector.shape_cast %broadcast_in_dim3A_73 : vector<1024x1xf32> to vector<1x1024xf32>
    %add3A_79 = vector.broadcast %reshape3A_78 : vector<1x1024xf32> to vector<512x1024xf32>
    %add3A_80 = arith.addf %sub3A_77, %add3A_79 : vector<512x1024xf32>
    %reduce_min3A = arith.constant dense<0x7F800000> : vector<512xf32>
    %reduce_min3A_81 = vector.multi_reduction <minimumf>, %add3A_80, %reduce_min3A [1] : vector<512x1024xf32> to vector<512xf32>
    %broadcast_in_dim3A_82 = vector.shape_cast %reduce_min3A_81 : vector<512xf32> to vector<512x1xf32>
    %iota3A = tpu.iota {dimensions = array<i32: 1>} : vector<512x1024xi32>
    %eq3A = vector.broadcast %broadcast_in_dim3A_82 : vector<512x1xf32> to vector<512x1024xf32>
    %eq3A_83 = arith.cmpf oeq, %add3A_80, %eq3A : vector<512x1024xf32>
    %jit3A = arith.constant 1024 : i32
    %broadcast_in_dim3A_84 = vector.broadcast %jit3A : i32 to vector<512x1024xi32>
    %select_n3A = arith.select %eq3A_83, %iota3A, %broadcast_in_dim3A_84 : vector<512x1024xi1>, vector<512x1024xi32>
    %reduce_min3A_85 = arith.constant dense<2147483647> : vector<512xi32>
    %reduce_min3A_86 = vector.multi_reduction <minsi>, %select_n3A, %reduce_min3A_85 [1] : vector<512x1024xi32> to vector<512xi32>
    %broadcast_in_dim3A_87 = vector.shape_cast %reduce_min3A_86 : vector<512xi32> to vector<512x1xi32>
    %swap3A = arith.constant 0 : index
    %swap3A_88 = arith.constant 0 : index
    %swap3A_89 = arith.constant 0 : index
    %swap3A_90 = vector.load %arg10[%swap3A, %swap3A_88, %swap3A_89] : memref<1x512x1xi32, #tpu.memory_space<vmem>>, vector<1x512x1xi32>
    %swap3A_91 = vector.shape_cast %swap3A_90 : vector<1x512x1xi32> to vector<512x1xi32>
    %swap3A_92 = vector.shape_cast %broadcast_in_dim3A_87 : vector<512x1xi32> to vector<1x512x1xi32>
    tpu.vector_store %arg10[%swap3A, %swap3A_88, %swap3A_89], %swap3A_92 {strides = array<i32>} : memref<1x512x1xi32, #tpu.memory_space<vmem>>, vector<1x512x1xi32>,
    %reduce_sum3A_93 = vector.shape_cast %broadcast_in_dim3A_82 : vector<512x1xf32> to vector<1x512x1xf32>
    %reduce_sum3A_94 = arith.constant dense<0.000000e+00> : vector<1xf32>
    %reduce_sum3A_95 = vector.multi_reduction <add>, %reduce_sum3A_93, %reduce_sum3A_94 [1, 2] : vector<1x512x1xf32> to vector<1xf32>
    %reduce_sum3A_96 = vector.shape_cast %reduce_sum3A_95 : vector<1xf32> to vector<1x1x1xf32>
    %reduce_sum3A_97 = vector.extract %reduce_sum3A_96[0, 0, 0] : f32 from vector<1x1x1xf32>
    %eq3A_98 = arith.constant 0 : i32
    %eq3A_99 = arith.cmpi eq, %arg0, %eq3A_98 : i32
    %convert_element_type3A_100 = arith.extui %eq3A_99 : i1 to i32
    %cond3A = arith.constant 0 : i32
    %cond3A_101 = arith.cmpi ne, %convert_element_type3A_100, %cond3A : i32
    scf.if %cond3A_101 {
      %broadcast_in_dim3A_110 = arith.constant 0.000000e+00 : f32
      %broadcast_in_dim3A_111 = vector.broadcast %broadcast_in_dim3A_110 : f32 to vector<1x1xf32>
      %swap3A_112 = arith.constant 0 : index
      %swap3A_113 = arith.constant 0 : index
      %swap3A_114 = vector.load %arg11[%swap3A_112, %swap3A_113] : memref<1x1xf32, #tpu.memory_space<vmem>>, vector<1x1xf32>
      tpu.vector_store %arg11[%swap3A_112, %swap3A_113], %broadcast_in_dim3A_111 {strides = array<i32>} : memref<1x1xf32, #tpu.memory_space<vmem>>, vector<1x1xf32>,
    } else {
    }
    %get3A_102 = arith.constant 0 : index
    %get3A_103 = arith.constant 0 : index
    %get3A_104 = vector.load %arg11[%get3A_102, %get3A_103] : memref<1x1xf32, #tpu.memory_space<vmem>>, vector<1x1xf32>
    %add3A_105 = vector.broadcast %reduce_sum3A_97 : f32 to vector<1x1xf32>
    %add3A_106 = arith.addf %get3A_104, %add3A_105 : vector<1x1xf32>
    %swap3A_107 = arith.constant 0 : index
    %swap3A_108 = arith.constant 0 : index
    %swap3A_109 = vector.load %arg11[%swap3A_107, %swap3A_108] : memref<1x1xf32, #tpu.memory_space<vmem>>, vector<1x1xf32>
    tpu.vector_store %arg11[%swap3A_107, %swap3A_108], %add3A_106 {strides = array<i32>} : memref<1x1xf32, #tpu.memory_space<vmem>>, vector<1x1xf32>,
    return
  }
  func.func @transform_0(%arg0: i32) -> (i32, i32, i32) {
    %c0_i32 = arith.constant 0 : i32
    %c0_i32_0 = arith.constant 0 : i32
    %c0_i32_1 = arith.constant 0 : i32
    return %arg0, %c0_i32, %c0_i32_0 : i32, i32, i32
  }
  func.func @transform_1(%arg0: i32) -> (i32, i32) {
    %c0_i32 = arith.constant 0 : i32
    %c0_i32_0 = arith.constant 0 : i32
    %c0_i32_1 = arith.constant 0 : i32
    return %c0_i32, %c0_i32_0 : i32, i32
  }
  func.func @transform_2(%arg0: i32) -> (i32, i32) {
    %c0_i32 = arith.constant 0 : i32
    %c0_i32_0 = arith.constant 0 : i32
    %c0_i32_1 = arith.constant 0 : i32
    return %c0_i32, %c0_i32_0 : i32, i32
  }
  func.func @transform_3(%arg0: i32) -> (i32, i32) {
    %c0_i32 = arith.constant 0 : i32
    %c0_i32_0 = arith.constant 0 : i32
    %c0_i32_1 = arith.constant 0 : i32
    return %c0_i32, %c0_i32_0 : i32, i32
  }
  func.func @transform_4(%arg0: i32) -> (i32, i32) {
    %c0_i32 = arith.constant 0 : i32
    %c0_i32_0 = arith.constant 0 : i32
    %c0_i32_1 = arith.constant 0 : i32
    return %c0_i32, %c0_i32_0 : i32, i32
  }
  func.func @transform_5(%arg0: i32) -> (i32, i32) {
    %c0_i32 = arith.constant 0 : i32
    %c0_i32_0 = arith.constant 0 : i32
    %c0_i32_1 = arith.constant 0 : i32
    return %c0_i32, %c0_i32_0 : i32, i32
  }
  func.func @transform_6(%arg0: i32) -> (i32, i32) {
    %c0_i32 = arith.constant 0 : i32
    %c0_i32_0 = arith.constant 0 : i32
    %c0_i32_1 = arith.constant 0 : i32
    return %c0_i32, %c0_i32_0 : i32, i32
  }
  func.func @transform_7(%arg0: i32) -> (i32, i32) {
    %c0_i32 = arith.constant 0 : i32
    %c0_i32_0 = arith.constant 0 : i32
    %c0_i32_1 = arith.constant 0 : i32
    return %c0_i32, %c0_i32_0 : i32, i32
  }
  func.func @transform_8(%arg0: i32) -> (i32, i32) {
    %c0_i32 = arith.constant 0 : i32
    %c0_i32_0 = arith.constant 0 : i32
    %c0_i32_1 = arith.constant 0 : i32
    return %c0_i32, %c0_i32_0 : i32, i32
  }
  func.func @transform_9(%arg0: i32) -> (i32, i32, i32) {
    %c0_i32 = arith.constant 0 : i32
    %c0_i32_0 = arith.constant 0 : i32
    %c0_i32_1 = arith.constant 0 : i32
    return %arg0, %c0_i32, %c0_i32_0 : i32, i32, i32
  }
  func.func @transform_10(%arg0: i32) -> (i32, i32) {
    %c0_i32 = arith.constant 0 : i32
    %c0_i32_0 = arith.constant 0 : i32
    %c0_i32_1 = arith.constant 0 : i32
    return %c0_i32, %c0_i32_0 : i32, i32
  }
}

</mosaic_0001>

<sc_bundles>
// kernel: kernel.4.cloned.1.call-start
scs
__scs_entry_jumppad:
0x0: {  	(pc) =	sbr.rel $0x88, $3  }
0x1: {  	(tag) =	ssettag $0x0;
	lr =	simm.s32 $0x1  }
0x2: {  	[smem:$0x3F99] =	sst lr;
	_ =	strace $0xD0000000  }
0x3: {  	_ = 	snop  }
0x4: {  	_ = 	snop  }
0x5: {  	_ = 	snop  }
0x6: {  	_ = 	snop  }
0x7: {  	_ = 	snop  }
__scs_overlays_trampoline_lowered:
0x8: {  	[smem:$0x3FA8] =	sst s0  }
0x9: {  	[smem:$0x3FA9] =	sst s1  }
0xa: {  	[smem:$0x3FAA] =	sst s2  }
0xb: {  	[smem:$0x3FAB] =	sst s3  }
0xc: {  	[smem:$0x3FAC] =	sst s4  }
0xd: {  	[smem:$0x3FAD] =	sst s5  }
0xe: {  	[smem:$0x3FAE] =	sst s6  }
0xf: {  	[smem:$0x3FAF] =	sst s7  }
0x10: {  	[smem:$0x3FB0] =	sst s8  }
0x11: {  	[smem:$0x3FB1] =	sst s9;
	s0 =	simm.s32 @!p0 $0x0  }
0x12: {  	s1 =	sld [smem:$0x3F97];
	s0 =	simm.s32 @p0 $0x1  }
0x13: {  	[smem:$0x3FB2] =	sst s0;
	s0 =	simm.s32 @!p1 $0x0  }
0x14: {  	s2 =	sld [smem:$0x3F96];
	s0 =	simm.s32 @p1 $0x1  }
0x15: {  	[smem:$0x3FB3] =	sst s0;
	s0 =	simm.s32 @!p2 $0x0  }
0x16: {  	s3 =	sld [smem:$0x3FDB];
	s0 =	simm.s32 @p2 $0x1  }
0x17: {  	s4 =	simm.s32 $0x1BF5;
	[smem:$0x3FB5] =	sst s0  }
0x18: {  	s0 =	sld [smem:$0x3F98];
	_ =	swait.ge [sflag:s4], $0x0  }
0x19: {  	s7 =	sld [smem:$0x3F99]  }
0x1a: {  	s8 =	sadd.s32 $0xFFFFE003, lr  }
0x1b: {  	s9 =	sadd.s32 $0xFFFFFEF7, lr;
	s5 =	simm.s32 $0xFFFFFFFF;
	p2 =	slt.u32 s8, $0xFFFFF086  }
0x1c: {  	p1 =	slt.u32 s9, $0xF7A;
	s5 =	simm.s32 @!p2 $0x0  }
0x1d: {  	s5 =	simm.s32 @p1 $0x1;
	p0 =	seq.s32 s7, s2  }
0x1e: {  	s7 =	smul.u32 @!p0 $0xF7A, s2;
	p2 =	seq.s32 @!p0 s5, $0x0  }
0x1f: {  	s9 =	smul.u32 $0xF7A, s1;
	s8 =	simm.s32 @!p0 $0x1BF5;
	p2 =	por !p2, p0  }
0x20: {  	[sflag:s8] =	ssyncset.s32 @!p0 $0xFFFFF086;
	s6 =	sadd.s32 @!p0 s3, s7;
	s7 =	simm.s32 @!p0 $0x108  }
0x21: {  	s3 =	sadd.s32 s3, s9;
	s6 =	sadd.s32 @!p0 $0x88, s6;
	s7 =	simm.s32 @p2 $0x1082  }
0x22: {  	[simem:s7], [sflag:s8] =	dma.local @!p0 [hbm:s6], $0xF7A  }
0x23: {  	s9 =	sor.u32 $0xD0000000, s2;
	s6 =	simm.s32 $0x108;
	_ =	swait.ge @!p0 [sflag:s8], $0x0  }
0x24: {  	s3 =	sadd.s32 $0x88, s3;
	s6 =	simm.s32 @!p1 $0x1082;
	[sflag:s4] =	ssyncset.s32 $0xFFFFF086  }
0x25: {  	[simem:s6], [sflag:s4] =	dma.local [hbm:s3], $0xF7A  }
0x26: {  	[smem:$0x3F99] =	sst s1;
	(tag) =	ssettag s2;
	_ =	strace s9  }
0x27: {  	s1 =	sld [smem:$0x3FA9]  }
0x28: {  	s2 =	sld [smem:$0x3FAA]  }
0x29: {  	s4 =	sld [smem:$0x3FAC]  }
0x2a: {  	p0 =	seq.s32 s5, $0x0;
	s5 =	sld [smem:$0x3FAD]  }
0x2b: {  	s6 =	sld [smem:$0x3FAE]  }
0x2c: {  	s7 =	sld [smem:$0x3FAF]  }
0x2d: {  	s3 =	simm.s32 $0x108;
	s8 =	sld [smem:$0x3FB0]  }
0x2e: {  	s3 =	simm.s32 @!p0 $0x1082;
	s9 =	sld [smem:$0x3FB1]  }
0x2f: {  	lr =	sadd.s32 s0, s3;
	s0 =	sld [smem:$0x3FA8]  }
0x30: {  	s3 =	sld [smem:$0x3FAB]  }
0x31: {  	[smem:$0x3FB4] =	sst s10  }
0x32: {  	s10 =	sld [smem:$0x3FB2];
	_ =	sdelay $0x3  }
0x33: {  	p0 =	seq.s32 s10, $0x1;
	s10 =	sld [smem:$0x3FB4];
	_ =	sdelay $0x3  }
0x34: {  	[smem:$0x3FB4] =	sst s10  }
0x35: {  	s10 =	sld [smem:$0x3FB3];
	_ =	sdelay $0x3  }
0x36: {  	p1 =	seq.s32 s10, $0x1;
	s10 =	sld [smem:$0x3FB4];
	_ =	sdelay $0x3  }
0x37: {  	[smem:$0x3FB4] =	sst s10  }
0x38: {  	s10 =	sld [smem:$0x3FB5]  }
0x39: {  	_ = 	snop;
	(pc) =	sbr.ind lr, $3  }
0x3a: {  	_ = 	snop  }
0x3b: {  	_ = 	snop  }
0x3c: {  	p2 =	seq.s32 s10, $0x1;
	s10 =	sld [smem:$0x3FB4]  }
0x3d: {  	_ =	shalt  }
0x3e: {  	_ =	shalt  }
0x3f: {  	_ =	shalt  }
0x40: {  	_ =	shalt  }
0x41: {  	_ =	shalt  }
0x42: {  	_ =	shalt  }
0x43: {  	_ =	shalt  }
0x44: {  	_ =	shalt  }
0x45: {  	_ =	shalt  }
0x46: {  	_ =	shalt  }
0x47: {  	_ =	shalt  }
0x48: {  	_ =	shalt  }
0x49: {  	_ =	shalt  }
0x4a: {  	_ =	shalt  }
0x4b: {  	_ =	shalt  }
0x4c: {  	_ =	shalt  }
0x4d: {  	_ =	shalt  }
0x4e: {  	_ =	shalt  }
0x4f: {  	_ =	shalt  }
0x50: {  	_ =	shalt  }
0x51: {  	_ =	shalt  }
0x52: {  	_ =	shalt  }
0x53: {  	_ =	shalt  }
0x54: {  	_ =	shalt  }
0x55: {  	_ =	shalt  }
0x56: {  	_ =	shalt  }
0x57: {  	_ =	shalt  }
0x58: {  	_ =	shalt  }
0x59: {  	_ =	shalt  }
0x5a: {  	_ =	shalt  }
0x5b: {  	_ =	shalt  }
0x5c: {  	_ =	shalt  }
0x5d: {  	_ =	shalt  }
0x5e: {  	_ =	shalt  }
0x5f: {  	_ =	shalt  }
0x60: {  	_ =	shalt  }
0x61: {  	_ =	shalt  }
0x62: {  	_ =	shalt  }
0x63: {  	_ =	shalt  }
0x64: {  	_ =	shalt  }
0x65: {  	_ =	shalt  }
0x66: {  	_ =	shalt  }
0x67: {  	_ =	shalt  }
0x68: {  	_ =	shalt  }
0x69: {  	_ =	shalt  }
0x6a: {  	_ =	shalt  }
0x6b: {  	_ =	shalt  }
0x6c: {  	_ =	shalt  }
0x6d: {  	_ =	shalt  }
0x6e: {  	_ =	shalt  }
0x6f: {  	_ =	shalt  }
0x70: {  	_ =	shalt  }
0x71: {  	_ =	shalt  }
0x72: {  	_ =	shalt  }
0x73: {  	_ =	shalt  }
0x74: {  	_ =	shalt  }
0x75: {  	_ =	shalt  }
0x76: {  	_ =	shalt  }
0x77: {  	_ =	shalt  }
0x78: {  	_ =	shalt  }
0x79: {  	_ =	shalt  }
0x7a: {  	_ =	shalt  }
0x7b: {  	_ =	shalt  }
0x7c: {  	_ =	shalt  }
0x7d: {  	_ =	shalt  }
0x7e: {  	_ =	shalt  }
0x7f: {  	_ =	shalt  }
0x80: {  	_ =	shalt  }
0x81: {  	_ =	shalt  }
0x82: {  	_ =	shalt  }
0x83: {  	_ =	shalt  }
0x84: {  	_ =	shalt  }
0x85: {  	_ =	shalt  }
0x86: {  	_ =	shalt  }
0x87: {  	_ =	shalt  }
.Lfunc_end0:
.L_simem_size_0:
called_computation_lowered:
.L_overlay_start_0:
0x88: {  	s2 =	sld [smem:$0x3FD9]  }
0x89: {  	s3 =	sld [smem:$0x3FFE];
	_ =	sdelay $0x1  }
0x8a: {  	s1 =	srdreg.scid  }
0x8b: {  	s0 =	sand.u32 $0x1, s1  }
0x8c: {  	s14 =	sshll.u32 s0, $0xA;
	s2 =	sadd.s32 s3, s2  }
0x8d: {  	s2 =	sadd.s32 s2, s14  }
0x8e: {  	[smem:$0x3FC0] =	sst s2  }
0x8f: {  	_ = 	snop  }
0x90: {  	s2 =	sld [smem:$0x3FD0];
	_ =	sdelay $0x2  }
0x91: {  	s15 =	simm.s32 $0xA;
	s4 =	simm.s32 $0x10  }
0x92: {  	[smem:s4], [sflag:s15] =	dma.local [hbm:s2], $0x1  }
0x93: {  	_ =	swait.eq [sflag:s15], $0x1  }
0x94: {  	[sflag:s15] =	ssyncset.done $0x0  }
0x95: {  	[sflag:s15] =	ssyncadd.s32 $0xFFFFFFFF  }
0x96: {  	s16 =	sld [smem:$0x10];
	(tm) =	ssettm $0x1  }
0x97: {  	s17 =	sld [smem:$0x3FFB];
	_ =	sdelay $0x3  }
0x98: {  	_ =	strace s17  }
0x99: {  	s3 =	sld [smem:$0x3FFC];
	_ =	sdelay $0x3  }
0x9a: {  	_ =	strace s3  }
0x9b: {  	s3 =	sld [smem:$0x3FFD];
	_ =	sdelay $0x3  }
0x9c: {  	_ =	strace s3  }
0x9d: {  	_ =	strace $0x8FFFFFFF  }
0x9e: {  	s18 =	sld [smem:$0x3FDB];
	_ =	sdelay $0x1  }
0x9f: {  	s19 =	simm.s32 $_scs_section_size  }
0xa0: {  	s5 =	simm.s32 $_size__tile_overlayer_lowered;
	s6 =	simm.s32 $_tile_overlayer_lowered  }
0xa1: {  	s22 =	simm.s32 $0x1BFF;
	s21 =	sshll.u32 s6, $0x1;
	s3 =	sadd.s32 s19, s18  }
0xa2: {  	s7 =	simm.s32 $0x0;
	s20 =	sshll.u32 s5, $0x1;
	s5 =	sadd.s32 s21, s3  }
0xa3: {  	[timem:s7], [sflag:s22] =	dma.local [hbm:s5], s20  }
0xa4: {  	_ =	swait.ge [sflag:s22], s20  }
0xa5: {  	s4 =	ssub.s32 $0x0, s20;
	[sflag:s22] =	ssyncset.done $0x0  }
0xa6: {  	[sflag:s22] =	ssyncadd.s32 s4;
	_ =	sdelay $0x1  }
0xa7: {  	s23 =	simm.s32 $0x1B8B  }
0xa8: {  	_ =	swait.ge [sflag:s23], $0x1  }
0xa9: {  	[sflag:s23] =	ssyncset.done $0x0  }
0xaa: {  	s25 =	simm.s32 $0x1B8E;
	s24 =	sld [smem:$0x3FFE];
	[sflag:s23] =	ssyncadd.s32 $0xFFFFFFFF  }
0xab: {  	s26 =	simm.s32 $execute0_lowered;
	[smem:$0x3FD2] =	sst s25  }
0xac: {  	s5 =	sshll.u32 s26, $0x1;
	_ =	strace $0x80000046;
	[dreg:$0x1] =	wrdreg $0xFFFFFFFF  }
0xad: {  	s28 =	simm.s32 $_size_execute0_lowered;
	s3 =	sadd.s32 s3, s5;
	[dreg:$0x0] =	wrdreg $0x0  }
0xae: {  	s5 =	sshll.u32 s28, $0x1;
	[dreg:$0x2] =	wrdreg s3  }
0xaf: {  	[dreg:$0x3] =	wrdreg s5  }
0xb0: {  	[dreg:$0x4] =	wrdreg $0xC0  }
0xb1: {  	_ =	task [dreg:s7], $0x5FFFF  }
0xb2: {  	[dreg:$0x1] =	wrdreg $0xFFFFFFFF  }
0xb3: {  	[dreg:$0x0] =	wrdreg $0x60  }
0xb4: {  	[dreg:$0x2] =	wrdreg s24  }
0xb5: {  	[dreg:$0x3] =	wrdreg s16  }
0xb6: {  	[dreg:$0x4] =	wrdreg $0x9  }
0xb7: {  	_ =	task.clear_ibuf [dreg:s7], $0x5FFFF;
	_ =	strace $0x90000046  }
0xb8: {  	s29 =	simm.s32 $0x9;
	_ =	strace $0x80000048  }
0xb9: {  	_ =	swait.ge [sflag:s29], $0x1  }
0xba: {  	[sflag:s29] =	ssyncadd.s32 $0xFFFFFFFF  }
0xbb: {  	_ =	strace $0x90000048  }
0xbc: {  	_ =	sfence  }
0xbd: {  	s30 =	sld [smem:$0x0];
	_ =	sdelay $0x2  }
0xbe: {  	s31 =	sshll.u32 s1, $0xD;
	s1 =	sshrl.u32 s1, $0x2  }
0xbf: {  	s3 =	sand.u32 $0x4000, s31;
	s1 =	sadd.s32 s1, s30  }
0xc0: {  	s0 =	sor.u32 s3, s0;
	s1 =	sshll.u32 s1, $0x11  }
0xc1: {  	s0 =	sor.u32 s1, s0  }
0xc2: {  	s0 =	sadd.s32 $0x8F2B, s0  }
0xc3: {  	[sflag:s0] =	ssyncadd.remote.s32 $0x1  }
0xc4: {  	_ =	sfence.sel $0xFFFF  }
0xc5: {  	[dreg:$0x0] =	wrdreg $0xFFFFFFFF;
	(pc) =	sbr.abs _section_cstart, $3  }
0xc6: {  	[dreg:$0x1] =	wrdreg $0xFFFFFFFF  }
0xc7: {  	_ =	task.clear_ibuf [dreg:s7], $0x2FFFF;
	_ =	strace $0x9FFFFFFF  }
0xc8: {  	(tm) =	ssettm $0x7FFFFFFF  }
0xc9: {  	_ =	shalt  }
tec
execute0_lowered:
.L_overlay_start_1:
0x0: {  	(tag) =	ssettag $0x1  }
0x1: {  	s3 =	rddreg [dreg:$0x0]  }
0x2: {  	s1 =	srdreg.scid;
	s0 =	stileid.u32  }
0x3: {  	s5 =	rddreg [dreg:$0x1];
	s2 =	simm.s32 $0x0;
	s9 =	simm.s32 $0x1000  }
0x4: {  	s10 =	simm.s32 $0x20000;
	s11 =	simm.s32 $0x4000;
	s12 =	simm.s32 $0x0  }
0x5: {  	s4 =	sand.u32 $0x1, s1;
	s6 =	sshll.u32 s0, $0x1;
	s1 =	rddreg [dreg:$0x2]  }
0x6: {  	[smem:$0x7FF] =	sst s2;
	s6 =	sor.u32 s4, s6;
	s4 =	ssub.s32 $0x2, s4  }
0x7: {  	_ =	strace $0x80000047;
	s7 =	sshll.u32 s6, $0xA;
	s8 =	sshrl.u32 s4, $0x1  }
0x8: {  	s6 =	sshll.u32 s6, $0x9;
	s7 =	sadd.s32 s7, s3;
	s3 =	sadd.s32 $0x9000, s3  }
0x9: {  	s8 =	ssub.s32 s4, s8;
	s5 =	sadd.s32 s5, s6;
	s4 =	sadd.s32 $0x1000, s7  }
0xa: {  	s6 =	smax.u32 s8, $0x1;
	s7 =	simm.s32 $0x1;
	s8 =	simm.s32 $0x2000  }
.LBB2_1:
0xb: {  	[tilespmem:s2], [sflag:$0x1] =	stream.linear.gather [hbm4b:s3+s2], $0x2000, $0x38;
	[tilespmem:$0x14000] =	vst v63  }
0xc: {  	_ =	swait.ge [sflag:s7], $0x2000  }
0xd: {  	[sflag:s7] =	ssyncset.done $0x0  }
0xe: {  	[sflag:s7] =	ssyncadd.s32 $0xFFFFE000  }
0xf: {  	[tilespmem:s8], [sflag:$0x1] =	stream.linear.gather [hbm4b:s4+s2], $0x2000, $0x38;
	[tilespmem:$0x14000] =	vst v63  }
0x10: {  	_ =	swait.ge [sflag:s7], $0x2000  }
0x11: {  	[sflag:s7] =	ssyncset.done $0x0  }
0x12: {  	s13 =	simm.s32 $0x4800;
	s14 =	simm.s32 $0x0;
	[sflag:s7] =	ssyncadd.s32 $0xFFFFE000  }
.LBB2_2:
0x13: {  	s15 =	sshll.u32 s14, $0x9;
	s16 =	sshll.u32 s14, $0x7  }
0x14: {  	s15 =	sand.u32 $0x1000, s15;
	s16 =	sand.u32 $0x380, s16  }
0x15: {  	s17 =	smov.u32 s13;
	s15 =	sor.u32 s16, s15;
	s16 =	simm.s32 $0x0  }
.LBB2_3:
0x16: {  	v0 =	vld [tilespmem:s15+$0x0];
	_ =	sdelay $0x4  }
0x17: {  	v0 =	vadd.s32 s16, v0;
	_ =	sdelay $0x4  }
0x18: {  	v0 =	vld.idx.msk [tilespmem:v0+s8+$0x0], $0xffff;
	_ =	sdelay $0x4  }
0x19: {  	[tilespmem:s17+$0xFFFFF800] =	vst v0  }
0x1a: {  	v0 =	vld [tilespmem:s15+$0x10];
	_ =	sdelay $0x4  }
0x1b: {  	v0 =	vadd.s32 s16, v0;
	_ =	sdelay $0x4  }
0x1c: {  	v0 =	vld.idx.msk [tilespmem:v0+s8+$0x0], $0xffff;
	_ =	sdelay $0x4  }
0x1d: {  	[tilespmem:s17+$0xFFFFF810] =	vst v0  }
0x1e: {  	v0 =	vld [tilespmem:s15+$0x20];
	_ =	sdelay $0x4  }
0x1f: {  	v0 =	vadd.s32 s16, v0;
	_ =	sdelay $0x4  }
0x20: {  	v0 =	vld.idx.msk [tilespmem:v0+s8+$0x0], $0xffff;
	_ =	sdelay $0x4  }
0x21: {  	[tilespmem:s17+$0xFFFFF820] =	vst v0  }
0x22: {  	v0 =	vld [tilespmem:s15+$0x30];
	_ =	sdelay $0x4  }
0x23: {  	v0 =	vadd.s32 s16, v0;
	_ =	sdelay $0x4  }
0x24: {  	v0 =	vld.idx.msk [tilespmem:v0+s8+$0x0], $0xffff;
	_ =	sdelay $0x4  }
0x25: {  	[tilespmem:s17+$0xFFFFF830] =	vst v0  }
0x26: {  	v0 =	vld [tilespmem:s15+$0x40];
	_ =	sdelay $0x4  }
0x27: {  	v0 =	vadd.s32 s16, v0;
	_ =	sdelay $0x4  }
0x28: {  	v0 =	vld.idx.msk [tilespmem:v0+s8+$0x0], $0xffff;
	_ =	sdelay $0x4  }
0x29: {  	[tilespmem:s17+$0xFFFFF840] =	vst v0  }
0x2a: {  	v0 =	vld [tilespmem:s15+$0x50];
	_ =	sdelay $0x4  }
0x2b: {  	v0 =	vadd.s32 s16, v0;
	_ =	sdelay $0x4  }
0x2c: {  	v0 =	vld.idx.msk [tilespmem:v0+s8+$0x0], $0xffff;
	_ =	sdelay $0x4  }
0x2d: {  	[tilespmem:s17+$0xFFFFF850] =	vst v0  }
0x2e: {  	v0 =	vld [tilespmem:s15+$0x60];
	_ =	sdelay $0x4  }
0x2f: {  	v0 =	vadd.s32 s16, v0;
	_ =	sdelay $0x4  }
0x30: {  	v0 =	vld.idx.msk [tilespmem:v0+s8+$0x0], $0xffff;
	_ =	sdelay $0x4  }
0x31: {  	[tilespmem:s17+$0xFFFFF860] =	vst v0  }
0x32: {  	v0 =	vld [tilespmem:s15+$0x70];
	_ =	sdelay $0x4  }
0x33: {  	v0 =	vadd.s32 s16, v0;
	_ =	sdelay $0x4  }
0x34: {  	v0 =	vld.idx.msk [tilespmem:v0+s8+$0x0], $0xffff;
	_ =	sdelay $0x4  }
0x35: {  	[tilespmem:s17+$0xFFFFF870] =	vst v0  }
0x36: {  	v0 =	vld [tilespmem:s15+$0x400];
	_ =	sdelay $0x4  }
0x37: {  	v0 =	vadd.s32 s16, v0;
	_ =	sdelay $0x4  }
0x38: {  	v0 =	vld.idx.msk [tilespmem:v0+s8+$0x0], $0xffff;
	_ =	sdelay $0x4  }
0x39: {  	[tilespmem:s17+$0xFFFFFC00] =	vst v0  }
0x3a: {  	v0 =	vld [tilespmem:s15+$0x410];
	_ =	sdelay $0x4  }
0x3b: {  	v0 =	vadd.s32 s16, v0;
	_ =	sdelay $0x4  }
0x3c: {  	v0 =	vld.idx.msk [tilespmem:v0+s8+$0x0], $0xffff;
	_ =	sdelay $0x4  }
0x3d: {  	[tilespmem:s17+$0xFFFFFC10] =	vst v0  }
0x3e: {  	v0 =	vld [tilespmem:s15+$0x420];
	_ =	sdelay $0x4  }
0x3f: {  	v0 =	vadd.s32 s16, v0;
	_ =	sdelay $0x4  }
0x40: {  	v0 =	vld.idx.msk [tilespmem:v0+s8+$0x0], $0xffff;
	_ =	sdelay $0x4  }
0x41: {  	[tilespmem:s17+$0xFFFFFC20] =	vst v0  }
0x42: {  	v0 =	vld [tilespmem:s15+$0x430];
	_ =	sdelay $0x4  }
0x43: {  	v0 =	vadd.s32 s16, v0;
	_ =	sdelay $0x4  }
0x44: {  	v0 =	vld.idx.msk [tilespmem:v0+s8+$0x0], $0xffff;
	_ =	sdelay $0x4  }
0x45: {  	[tilespmem:s17+$0xFFFFFC30] =	vst v0  }
0x46: {  	v0 =	vld [tilespmem:s15+$0x440];
	_ =	sdelay $0x4  }
0x47: {  	v0 =	vadd.s32 s16, v0;
	_ =	sdelay $0x4  }
0x48: {  	v0 =	vld.idx.msk [tilespmem:v0+s8+$0x0], $0xffff;
	_ =	sdelay $0x4  }
0x49: {  	[tilespmem:s17+$0xFFFFFC40] =	vst v0  }
0x4a: {  	v0 =	vld [tilespmem:s15+$0x450];
	_ =	sdelay $0x4  }
0x4b: {  	v0 =	vadd.s32 s16, v0;
	_ =	sdelay $0x4  }
0x4c: {  	v0 =	vld.idx.msk [tilespmem:v0+s8+$0x0], $0xffff;
	_ =	sdelay $0x4  }
0x4d: {  	[tilespmem:s17+$0xFFFFFC50] =	vst v0  }
0x4e: {  	v0 =	vld [tilespmem:s15+$0x460];
	_ =	sdelay $0x4  }
0x4f: {  	v0 =	vadd.s32 s16, v0;
	_ =	sdelay $0x4  }
0x50: {  	v0 =	vld.idx.msk [tilespmem:v0+s8+$0x0], $0xffff;
	_ =	sdelay $0x4  }
0x51: {  	[tilespmem:s17+$0xFFFFFC60] =	vst v0  }
0x52: {  	v0 =	vld [tilespmem:s15+$0x470];
	_ =	sdelay $0x4  }
0x53: {  	v0 =	vadd.s32 s16, v0;
	_ =	sdelay $0x4  }
0x54: {  	v0 =	vld.idx.msk [tilespmem:v0+s8+$0x0], $0xffff;
	_ =	sdelay $0x4  }
0x55: {  	[tilespmem:s17+$0xFFFFFC70] =	vst v0  }
0x56: {  	v0 =	vld [tilespmem:s15+$0x800];
	_ =	sdelay $0x4  }
0x57: {  	v0 =	vadd.s32 s16, v0;
	_ =	sdelay $0x4  }
0x58: {  	v0 =	vld.idx.msk [tilespmem:v0+s8+$0x0], $0xffff;
	_ =	sdelay $0x4  }
0x59: {  	[tilespmem:s17+$0x0] =	vst v0  }
0x5a: {  	v0 =	vld [tilespmem:s15+$0x810];
	_ =	sdelay $0x4  }
0x5b: {  	v0 =	vadd.s32 s16, v0;
	_ =	sdelay $0x4  }
0x5c: {  	v0 =	vld.idx.msk [tilespmem:v0+s8+$0x0], $0xffff;
	_ =	sdelay $0x4  }
0x5d: {  	[tilespmem:s17+$0x10] =	vst v0  }
0x5e: {  	v0 =	vld [tilespmem:s15+$0x820];
	_ =	sdelay $0x4  }
0x5f: {  	v0 =	vadd.s32 s16, v0;
	_ =	sdelay $0x4  }
0x60: {  	v0 =	vld.idx.msk [tilespmem:v0+s8+$0x0], $0xffff;
	_ =	sdelay $0x4  }
0x61: {  	[tilespmem:s17+$0x20] =	vst v0  }
0x62: {  	v0 =	vld [tilespmem:s15+$0x830];
	_ =	sdelay $0x4  }
0x63: {  	v0 =	vadd.s32 s16, v0;
	_ =	sdelay $0x4  }
0x64: {  	v0 =	vld.idx.msk [tilespmem:v0+s8+$0x0], $0xffff;
	_ =	sdelay $0x4  }
0x65: {  	[tilespmem:s17+$0x30] =	vst v0  }
0x66: {  	v0 =	vld [tilespmem:s15+$0x840];
	_ =	sdelay $0x4  }
0x67: {  	v0 =	vadd.s32 s16, v0;
	_ =	sdelay $0x4  }
0x68: {  	v0 =	vld.idx.msk [tilespmem:v0+s8+$0x0], $0xffff;
	_ =	sdelay $0x4  }
0x69: {  	[tilespmem:s17+$0x40] =	vst v0  }
0x6a: {  	v0 =	vld [tilespmem:s15+$0x850];
	_ =	sdelay $0x4  }
0x6b: {  	v0 =	vadd.s32 s16, v0;
	_ =	sdelay $0x4  }
0x6c: {  	v0 =	vld.idx.msk [tilespmem:v0+s8+$0x0], $0xffff;
	_ =	sdelay $0x4  }
0x6d: {  	[tilespmem:s17+$0x50] =	vst v0  }
0x6e: {  	v0 =	vld [tilespmem:s15+$0x860];
	_ =	sdelay $0x4  }
0x6f: {  	v0 =	vadd.s32 s16, v0;
	_ =	sdelay $0x4  }
0x70: {  	v0 =	vld.idx.msk [tilespmem:v0+s8+$0x0], $0xffff;
	_ =	sdelay $0x4  }
0x71: {  	[tilespmem:s17+$0x60] =	vst v0  }
0x72: {  	v0 =	vld [tilespmem:s15+$0x870];
	_ =	sdelay $0x4  }
0x73: {  	v0 =	vadd.s32 s16, v0;
	_ =	sdelay $0x4  }
0x74: {  	v0 =	vld.idx.msk [tilespmem:v0+s8+$0x0], $0xffff;
	_ =	sdelay $0x4  }
0x75: {  	[tilespmem:s17+$0x70] =	vst v0  }
0x76: {  	v0 =	vld [tilespmem:s15+$0xC00];
	_ =	sdelay $0x4  }
0x77: {  	v0 =	vadd.s32 s16, v0;
	_ =	sdelay $0x4  }
0x78: {  	v0 =	vld.idx.msk [tilespmem:v0+s8+$0x0], $0xffff;
	_ =	sdelay $0x4  }
0x79: {  	[tilespmem:s17+$0x400] =	vst v0  }
0x7a: {  	v0 =	vld [tilespmem:s15+$0xC10];
	_ =	sdelay $0x4  }
0x7b: {  	v0 =	vadd.s32 s16, v0;
	_ =	sdelay $0x4  }
0x7c: {  	v0 =	vld.idx.msk [tilespmem:v0+s8+$0x0], $0xffff;
	_ =	sdelay $0x4  }
0x7d: {  	[tilespmem:s17+$0x410] =	vst v0  }
0x7e: {  	v0 =	vld [tilespmem:s15+$0xC20];
	_ =	sdelay $0x4  }
0x7f: {  	v0 =	vadd.s32 s16, v0;
	_ =	sdelay $0x4  }
0x80: {  	v0 =	vld.idx.msk [tilespmem:v0+s8+$0x0], $0xffff;
	_ =	sdelay $0x4  }
0x81: {  	[tilespmem:s17+$0x420] =	vst v0  }
0x82: {  	v0 =	vld [tilespmem:s15+$0xC30];
	_ =	sdelay $0x4  }
0x83: {  	v0 =	vadd.s32 s16, v0;
	_ =	sdelay $0x4  }
0x84: {  	v0 =	vld.idx.msk [tilespmem:v0+s8+$0x0], $0xffff;
	_ =	sdelay $0x4  }
0x85: {  	[tilespmem:s17+$0x430] =	vst v0  }
0x86: {  	v0 =	vld [tilespmem:s15+$0xC40];
	_ =	sdelay $0x4  }
0x87: {  	v0 =	vadd.s32 s16, v0;
	_ =	sdelay $0x4  }
0x88: {  	v0 =	vld.idx.msk [tilespmem:v0+s8+$0x0], $0xffff;
	_ =	sdelay $0x4  }
0x89: {  	[tilespmem:s17+$0x440] =	vst v0  }
0x8a: {  	v0 =	vld [tilespmem:s15+$0xC50];
	_ =	sdelay $0x4  }
0x8b: {  	v0 =	vadd.s32 s16, v0;
	_ =	sdelay $0x4  }
0x8c: {  	v0 =	vld.idx.msk [tilespmem:v0+s8+$0x0], $0xffff;
	_ =	sdelay $0x4  }
0x8d: {  	[tilespmem:s17+$0x450] =	vst v0  }
0x8e: {  	v0 =	vld [tilespmem:s15+$0xC60];
	_ =	sdelay $0x4  }
0x8f: {  	v0 =	vadd.s32 s16, v0;
	_ =	sdelay $0x4  }
0x90: {  	v0 =	vld.idx.msk [tilespmem:v0+s8+$0x0], $0xffff;
	_ =	sdelay $0x4  }
0x91: {  	[tilespmem:s17+$0x460] =	vst v0  }
0x92: {  	v0 =	vld [tilespmem:s15+$0xC70];
	_ =	sdelay $0x4  }
0x93: {  	v0 =	vadd.s32 s16, v0;
	_ =	sdelay $0x4  }
0x94: {  	p0 =	sne.s32 s16, $0x1C00;
	v0 =	vld.idx.msk [tilespmem:v0+s8+$0x0], $0xffff  }
.Ltmp0:
0x95: {  	_ = 	snop;
	(pc) =	sbr.rel @p0 .LBB2_3-.Ltmp0, $2  }
0x96: {  	_ =	sdelay $0x2  }
0x97: {  	s16 =	sadd.s32 $0x400, s16;
	[tilespmem:s17+$0x470] =	vst v0;
	s17 =	sadd.s32 $0x80, s17  }
0x98: {  	s14 =	sadd.s32 $0x1, s14  }
0x99: {  	p0 =	sne.s32 s14, $0x10  }
.Ltmp1:
0x9a: {  	_ = 	snop;
	(pc) =	sbr.rel @p0 .LBB2_2-.Ltmp1, $2  }
0x9b: {  	_ =	sdelay $0x2  }
0x9c: {  	s13 =	sadd.s32 $0x1000, s13  }
0x9d: {  	s12 =	sadd.s32 $0x1, s12  }
0x9e: {  	p0 =	sne.s32 s12, s6  }
.Ltmp2:
0x9f: {  	_ = 	snop;
	(pc) =	sbr.rel @p0 .LBB2_1-.Ltmp2, $4  }
0xa0: {  	[hbm4b:s5+s9] =	stream.strided.scatter [tilespmem:s11], [sflag:$0x1], $0x10000, s10, s9, $0x38;
	[tilespmem:$0x14000] =	vst v63  }
0xa1: {  	_ =	swait.ge [sflag:s7], $0x10000  }
0xa2: {  	[sflag:s7] =	ssyncset.done $0x0  }
0xa3: {  	[sflag:s7] =	ssyncadd.s32 $0xFFFF0000  }
0xa4: {  	_ =	sfence.sel $0x180000  }
0xa5: {  	[bflag:$0x0] =	sbarrier.arrive $0xFFFF  }
0xa6: {  	p0 =	sne.s32 s0, $0x0;
	_ =	strace $0x90000047  }
0xa7: {  	s0 =	sadd.s32 @!p0 $0x100000, s1;
	[bflag:$0x2] =	sbarrier.arrive $0xFFFF  }
0xa8: {  	[sflag:s0] =	ssyncadd.tile.s32 @!p0 $0x1;
	_ =	shalt  }
.Lfunc_end2:
_tile_overlayer_lowered:
.L_overlay_start_2:
0xa9: {  	(tag) =	ssettag $0x2  }
0xaa: {  	s0 =	rddreg [dreg:$0x0];
	s2 =	stileid.u32  }
0xab: {  	s1 =	rddreg [dreg:$0x1];
	p0 =	sne.s32 s2, $0x0  }
0xac: {  	s3 =	rddreg [dreg:$0x2];
	[bflag:$0x3] =	sbarrier.arrive $0xFFFF;
	s2 =	simm.s32 @!p0 $0x1C01  }
0xad: {  	[timem:s3], [sflag:s2] =	dma.local @!p0 [hbm:s0], s1  }
0xae: {  	s0 =	simm.s32 @!p0 $0x1  }
0xaf: {  	_ =	swait.ge @!p0 [sflag:s0], s1  }
0xb0: {  	s1 =	ssub.s32 @!p0 $0x0, s1;
	[sflag:s0] =	ssyncset.done @!p0 $0x0  }
0xb1: {  	[sflag:s0] =	ssyncadd.s32 @!p0 s1  }
0xb2: {  	[bflag:$0x3] =	sbarrier.arrive $0xFFFF  }
0xb3: {  	_ =	shalt  }

</sc_bundles>
